<compile_context>
chip_gen: v7x
topology: tpu7x:2x2x1
jax: 0.10.2.dev20260603
libtpu: 0.0.44.dev20260713+nightly
codegen_flags: <defaults>
</compile_context>

<pallas_src>
import jax
import jax.numpy as jnp
from jax import lax
from jax.experimental import pallas as pl
from jax.experimental.pallas import tpu as pltpu
from jax.experimental.pallas import tpu_sc as plsc

BATCH = 4096
SEQ = 200
EMBD = 64

NC = 2
NS = 16
NW = NC * NS
B_PER_W = BATCH // NW
CHUNK = 40
N_CHUNKS = SEQ // CHUNK
CHUNKS_PER_W = B_PER_W * N_CHUNKS
NBUF = 4


def _sc_body(table_hbm, idx_hbm, out_hbm, idx_v, buf, out_v, *sems):
    wid = lax.axis_index("s") * NC + lax.axis_index("c")

    pltpu.sync_copy(idx_hbm.at[pl.ds(wid * B_PER_W, B_PER_W)], idx_v)

    def issue(s, k):
        for c in range(N_CHUNKS):
            pltpu.async_copy(
                table_hbm.at[idx_v.at[s, pl.ds(c * CHUNK, CHUNK)]],
                buf.at[k, pl.ds(c * CHUNK, CHUNK)],
                sems[k],
            )

    def drain(k):
        pltpu.make_async_copy(
            table_hbm.at[pl.ds(0, SEQ)], buf.at[k], sems[k]
        ).wait()

    def accum(s, k):
        def blk(i, acc):
            a0, a1, a2, a3 = acc
            for jj in range(8):
                j = i * 8 + jj
                a0 += buf[k, j, pl.ds(0, 16)]
                a1 += buf[k, j, pl.ds(16, 16)]
                a2 += buf[k, j, pl.ds(32, 16)]
                a3 += buf[k, j, pl.ds(48, 16)]
            return (a0, a1, a2, a3)

        z = jnp.zeros((16,), jnp.float32)
        a0, a1, a2, a3 = lax.fori_loop(0, SEQ // 8, blk, (z, z, z, z))
        out_v[s, pl.ds(0, 16)] = a0
        out_v[s, pl.ds(16, 16)] = a1
        out_v[s, pl.ds(32, 16)] = a2
        out_v[s, pl.ds(48, 16)] = a3

    for k in range(NBUF):
        issue(k, k)

    def step(t, _):
        for k in range(NBUF):
            s = t * NBUF + k
            drain(k)
            accum(s, k)
            nxt = s + NBUF

            @pl.when(nxt < B_PER_W)
            def _():
                issue(nxt, k)

        return 0

    lax.fori_loop(0, B_PER_W // NBUF, step, 0)
    pltpu.sync_copy(out_v, out_hbm.at[pl.ds(wid * B_PER_W, B_PER_W)])


@jax.jit
def _pooled_lookup(indices, table):
    mesh = plsc.VectorSubcoreMesh(core_axis_name="c", subcore_axis_name="s")
    return pl.kernel(
        _sc_body,
        out_type=jax.ShapeDtypeStruct((BATCH, EMBD), jnp.float32),
        mesh=mesh,
        scratch_types=[
            pltpu.VMEM((B_PER_W, SEQ), jnp.int32),
            pltpu.VMEM((NBUF, SEQ, EMBD), jnp.float32),
            pltpu.VMEM((B_PER_W, EMBD), jnp.float32),
        ] + [pltpu.SemaphoreType.DMA] * NBUF,
        compiler_params=pltpu.CompilerParams(use_tc_tiling_on_sc=False),
    )(table, indices)


def kernel(indices, table):
    return _pooled_lookup(indices.astype(jnp.int32), table)

# --- scband reference (transcript-rebuilt; emitter-appended) ---
"""Pipeline reference for scband-net-32315333935783 (READ-ONLY COPY).

The authoritative reference and input builder live on the scoring server;
editing this copy changes nothing except your own understanding.
"""

import jax, jax.numpy as jnp
import numpy as np

BATCH = 4096
SEQ = 200
VOCAB = 1000001  # +1 for padding row at index 0
EMBD = 64

def setup_inputs(seed: int = 0) -> dict:
    key = jax.random.key(seed)
    k1, k2 = jax.random.split(key)
    # word indices per sentence; index 0 is the padding row (nn.Embedding padding_idx=0)
    indices = jax.random.randint(k1, (BATCH, SEQ), 0, VOCAB - 1, dtype=jnp.int64) if jax.config.read('jax_enable_x64') else jax.random.randint(k1, (BATCH, SEQ), 0, VOCAB - 1, dtype=jnp.int32)
    # embedding table (word2vec-initialized in the original); padding row zeroed
    table = jax.random.normal(k2, (VOCAB, EMBD), dtype=jnp.float32) * 0.02
    table = table.at[0].set(0.0)
    return {"indices": indices, "table": table}

def reference(indices, table):
    # Faithful core computation of Net.forward: for each sentence, gather the
    # embedding vector for every matched word and sum them -> [B, embd].
    # Tokenizer / language-detection string processing is abstracted into the
    # precomputed integer index tensor (padding_idx=0 rows contribute zero,
    # matching sentences with fewer matched words).
    emb = jnp.take(table, indices, axis=0)  # [B, L, D] gather
    sent_emb = emb.sum(axis=1)              # sum over words -> [B, D]
    return sent_emb

if __name__ == "__main__":
    import jax
    _d = setup_inputs()
    print(jax.jit(kernel)(*tuple(_d.values())))

</pallas_src>

<mosaic_0001>
#map = affine_map<(d0, d1) -> (0, 0)>
module attributes {stable_mosaic.version = 14 : i64} {
  func.func @_sc_body(%arg0: i32, %arg1: i32, %arg2: memref<1000001x64xf32, #tpu.memory_space<hbm>>, %arg3: memref<4096x200xi32, #tpu.memory_space<hbm>>, %arg4: memref<4096x64xf32, #tpu.memory_space<hbm>>, %arg5: memref<128x200xi32, #tpu.memory_space<vmem>>, %arg6: memref<4x200x64xf32, #tpu.memory_space<vmem>>, %arg7: memref<128x64xf32, #tpu.memory_space<vmem>>, %arg8: memref<!tpu.dma_semaphore, #tpu.memory_space<semaphore_mem>>, %arg9: memref<!tpu.dma_semaphore, #tpu.memory_space<semaphore_mem>>, %arg10: memref<!tpu.dma_semaphore, #tpu.memory_space<semaphore_mem>>, %arg11: memref<!tpu.dma_semaphore, #tpu.memory_space<semaphore_mem>>) attributes {dimension_semantics = [#tpu.dimension_semantics<core_parallel>, #tpu.dimension_semantics<subcore_parallel>], iteration_bounds = array<i64: 2, 16>, scalar_prefetch = 0 : i64, scratch_operands = 7 : i64, tpu.core_type = #tpu.core_type<sc_vector_subcore>, window_params = [{transform_indices = #map}, {transform_indices = #map}, {transform_indices = #map}]} {
    %mul3A = arith.constant 2 : i32
    %mul3A_0 = arith.muli %arg1, %mul3A : i32
    %add3A = arith.addi %mul3A_0, %arg0 : i32
    %mul3A_1 = arith.constant 128 : i32
    %mul3A_2 = arith.muli %add3A, %mul3A_1 : i32
    "tpu.region"() ({
      %run_scoped3A = tpu.sem_alloc : memref<!tpu.dma_semaphore, #tpu.memory_space<semaphore_mem>>
      %dma_start3A_250 = arith.constant 0 : i32
      %dma_start3A_251 = tpu.memref_slice %arg3[%mul3A_2, %dma_start3A_250] : memref<4096x200xi32, #tpu.memory_space<hbm>> -> memref<128x200xi32, #tpu.memory_space<hbm>>
      %dma_start3A_252 = arith.constant 0 : i32
      %dma_start3A_253 = tpu.memref_slice %arg3[%mul3A_2, %dma_start3A_252] : memref<4096x200xi32, #tpu.memory_space<hbm>> -> memref<128x200xi32, #tpu.memory_space<hbm>>
      tpu.enqueue_dma source(%dma_start3A_253 : memref<128x200xi32, #tpu.memory_space<hbm>>) target(%arg5 : memref<128x200xi32, #tpu.memory_space<vmem>>) target_semaphore(%run_scoped3A : memref<!tpu.dma_semaphore, #tpu.memory_space<semaphore_mem>>)
      %dma_wait3A = arith.constant 0 : i32
      %dma_wait3A_254 = tpu.memref_slice %arg3[%mul3A_2, %dma_wait3A] : memref<4096x200xi32, #tpu.memory_space<hbm>> -> memref<128x200xi32, #tpu.memory_space<hbm>>
      %dma_wait3A_255 = arith.constant 0 : i32
      %dma_wait3A_256 = tpu.memref_slice %arg3[%mul3A_2, %dma_wait3A_255] : memref<4096x200xi32, #tpu.memory_space<hbm>> -> memref<128x200xi32, #tpu.memory_space<hbm>>
      tpu.wait_dma2 semaphore(%run_scoped3A : memref<!tpu.dma_semaphore, #tpu.memory_space<semaphore_mem>>) src(%dma_wait3A_256 : memref<128x200xi32, #tpu.memory_space<hbm>>) dst(%arg5 : memref<128x200xi32, #tpu.memory_space<vmem>>)
      tpu.yield
    }) : () -> ()
    %dma_start3A = arith.constant 0 : i32
    %dma_start3A_3 = arith.constant 0 : i32
    %dma_start3A_4 = arith.constant 0 : i32
    %dma_start3A_5 = arith.constant 0 : i32
    %dma_start3A_6 = tpu.memref_slice %arg6[%dma_start3A_3, %dma_start3A_4, %dma_start3A_5] : memref<4x200x64xf32, #tpu.memory_space<vmem>> -> memref<1x40x64xf32, #tpu.memory_space<vmem>>
    %dma_start3A_7 = tpu.memref_squeeze %dma_start3A_6 : memref<1x40x64xf32, #tpu.memory_space<vmem>> -> memref<40x64xf32, #tpu.memory_space<vmem>>
    %dma_start3A_8 = arith.constant 0 : i32
    %dma_start3A_9 = tpu.memref_slice %arg5[%dma_start3A, %dma_start3A_8] : memref<128x200xi32, #tpu.memory_space<vmem>> -> memref<1x40xi32, #tpu.memory_space<vmem>>
    %dma_start3A_10 = tpu.memref_squeeze %dma_start3A_9 : memref<1x40xi32, #tpu.memory_space<vmem>> -> memref<40xi32, #tpu.memory_space<vmem>>
    %dma_start3A_11 = arith.constant 0 : i32
    %dma_start3A_12 = arith.constant 0 : i32
    %dma_start3A_13 = tpu.memref_slice %arg2[%dma_start3A_11, %dma_start3A_12] : memref<1000001x64xf32, #tpu.memory_space<hbm>> -> memref<1000001x64xf32, #tpu.memory_space<hbm>>
    tpu.enqueue_indirect_dma source(%dma_start3A_13 : memref<1000001x64xf32, #tpu.memory_space<hbm>>) target(%dma_start3A_7 : memref<40x64xf32, #tpu.memory_space<vmem>>) offsets(%dma_start3A_10 : memref<40xi32, #tpu.memory_space<vmem>>) semaphore(%arg8 : memref<!tpu.dma_semaphore, #tpu.memory_space<semaphore_mem>>)
    %dma_start3A_14 = arith.constant 0 : i32
    %dma_start3A_15 = arith.constant 0 : i32
    %dma_start3A_16 = arith.constant 40 : i32
    %dma_start3A_17 = arith.constant 0 : i32
    %dma_start3A_18 = tpu.memref_slice %arg6[%dma_start3A_15, %dma_start3A_16, %dma_start3A_17] : memref<4x200x64xf32, #tpu.memory_space<vmem>> -> memref<1x40x64xf32, #tpu.memory_space<vmem>>
    %dma_start3A_19 = tpu.memref_squeeze %dma_start3A_18 : memref<1x40x64xf32, #tpu.memory_space<vmem>> -> memref<40x64xf32, #tpu.memory_space<vmem>>
    %dma_start3A_20 = arith.constant 40 : i32
    %dma_start3A_21 = tpu.memref_slice %arg5[%dma_start3A_14, %dma_start3A_20] : memref<128x200xi32, #tpu.memory_space<vmem>> -> memref<1x40xi32, #tpu.memory_space<vmem>>
    %dma_start3A_22 = tpu.memref_squeeze %dma_start3A_21 : memref<1x40xi32, #tpu.memory_space<vmem>> -> memref<40xi32, #tpu.memory_space<vmem>>
    %dma_start3A_23 = arith.constant 0 : i32
    %dma_start3A_24 = arith.constant 0 : i32
    %dma_start3A_25 = tpu.memref_slice %arg2[%dma_start3A_23, %dma_start3A_24] : memref<1000001x64xf32, #tpu.memory_space<hbm>> -> memref<1000001x64xf32, #tpu.memory_space<hbm>>
    tpu.enqueue_indirect_dma source(%dma_start3A_25 : memref<1000001x64xf32, #tpu.memory_space<hbm>>) target(%dma_start3A_19 : memref<40x64xf32, #tpu.memory_space<vmem>>) offsets(%dma_start3A_22 : memref<40xi32, #tpu.memory_space<vmem>>) semaphore(%arg8 : memref<!tpu.dma_semaphore, #tpu.memory_space<semaphore_mem>>)
    %dma_start3A_26 = arith.constant 0 : i32
    %dma_start3A_27 = arith.constant 0 : i32
    %dma_start3A_28 = arith.constant 80 : i32
    %dma_start3A_29 = arith.constant 0 : i32
    %dma_start3A_30 = tpu.memref_slice %arg6[%dma_start3A_27, %dma_start3A_28, %dma_start3A_29] : memref<4x200x64xf32, #tpu.memory_space<vmem>> -> memref<1x40x64xf32, #tpu.memory_space<vmem>>
    %dma_start3A_31 = tpu.memref_squeeze %dma_start3A_30 : memref<1x40x64xf32, #tpu.memory_space<vmem>> -> memref<40x64xf32, #tpu.memory_space<vmem>>
    %dma_start3A_32 = arith.constant 80 : i32
    %dma_start3A_33 = tpu.memref_slice %arg5[%dma_start3A_26, %dma_start3A_32] : memref<128x200xi32, #tpu.memory_space<vmem>> -> memref<1x40xi32, #tpu.memory_space<vmem>>
    %dma_start3A_34 = tpu.memref_squeeze %dma_start3A_33 : memref<1x40xi32, #tpu.memory_space<vmem>> -> memref<40xi32, #tpu.memory_space<vmem>>
    %dma_start3A_35 = arith.constant 0 : i32
    %dma_start3A_36 = arith.constant 0 : i32
    %dma_start3A_37 = tpu.memref_slice %arg2[%dma_start3A_35, %dma_start3A_36] : memref<1000001x64xf32, #tpu.memory_space<hbm>> -> memref<1000001x64xf32, #tpu.memory_space<hbm>>
    tpu.enqueue_indirect_dma source(%dma_start3A_37 : memref<1000001x64xf32, #tpu.memory_space<hbm>>) target(%dma_start3A_31 : memref<40x64xf32, #tpu.memory_space<vmem>>) offsets(%dma_start3A_34 : memref<40xi32, #tpu.memory_space<vmem>>) semaphore(%arg8 : memref<!tpu.dma_semaphore, #tpu.memory_space<semaphore_mem>>)
    %dma_start3A_38 = arith.constant 0 : i32
    %dma_start3A_39 = arith.constant 0 : i32
    %dma_start3A_40 = arith.constant 120 : i32
    %dma_start3A_41 = arith.constant 0 : i32
    %dma_start3A_42 = tpu.memref_slice %arg6[%dma_start3A_39, %dma_start3A_40, %dma_start3A_41] : memref<4x200x64xf32, #tpu.memory_space<vmem>> -> memref<1x40x64xf32, #tpu.memory_space<vmem>>
    %dma_start3A_43 = tpu.memref_squeeze %dma_start3A_42 : memref<1x40x64xf32, #tpu.memory_space<vmem>> -> memref<40x64xf32, #tpu.memory_space<vmem>>
    %dma_start3A_44 = arith.constant 120 : i32
    %dma_start3A_45 = tpu.memref_slice %arg5[%dma_start3A_38, %dma_start3A_44] : memref<128x200xi32, #tpu.memory_space<vmem>> -> memref<1x40xi32, #tpu.memory_space<vmem>>
    %dma_start3A_46 = tpu.memref_squeeze %dma_start3A_45 : memref<1x40xi32, #tpu.memory_space<vmem>> -> memref<40xi32, #tpu.memory_space<vmem>>
    %dma_start3A_47 = arith.constant 0 : i32
    %dma_start3A_48 = arith.constant 0 : i32
    %dma_start3A_49 = tpu.memref_slice %arg2[%dma_start3A_47, %dma_start3A_48] : memref<1000001x64xf32, #tpu.memory_space<hbm>> -> memref<1000001x64xf32, #tpu.memory_space<hbm>>
    tpu.enqueue_indirect_dma source(%dma_start3A_49 : memref<1000001x64xf32, #tpu.memory_space<hbm>>) target(%dma_start3A_43 : memref<40x64xf32, #tpu.memory_space<vmem>>) offsets(%dma_start3A_46 : memref<40xi32, #tpu.memory_space<vmem>>) semaphore(%arg8 : memref<!tpu.dma_semaphore, #tpu.memory_space<semaphore_mem>>)
    %dma_start3A_50 = arith.constant 0 : i32
    %dma_start3A_51 = arith.constant 0 : i32
    %dma_start3A_52 = arith.constant 160 : i32
    %dma_start3A_53 = arith.constant 0 : i32
    %dma_start3A_54 = tpu.memref_slice %arg6[%dma_start3A_51, %dma_start3A_52, %dma_start3A_53] : memref<4x200x64xf32, #tpu.memory_space<vmem>> -> memref<1x40x64xf32, #tpu.memory_space<vmem>>
    %dma_start3A_55 = tpu.memref_squeeze %dma_start3A_54 : memref<1x40x64xf32, #tpu.memory_space<vmem>> -> memref<40x64xf32, #tpu.memory_space<vmem>>
    %dma_start3A_56 = arith.constant 160 : i32
    %dma_start3A_57 = tpu.memref_slice %arg5[%dma_start3A_50, %dma_start3A_56] : memref<128x200xi32, #tpu.memory_space<vmem>> -> memref<1x40xi32, #tpu.memory_space<vmem>>
    %dma_start3A_58 = tpu.memref_squeeze %dma_start3A_57 : memref<1x40xi32, #tpu.memory_space<vmem>> -> memref<40xi32, #tpu.memory_space<vmem>>
    %dma_start3A_59 = arith.constant 0 : i32
    %dma_start3A_60 = arith.constant 0 : i32
    %dma_start3A_61 = tpu.memref_slice %arg2[%dma_start3A_59, %dma_start3A_60] : memref<1000001x64xf32, #tpu.memory_space<hbm>> -> memref<1000001x64xf32, #tpu.memory_space<hbm>>
    tpu.enqueue_indirect_dma source(%dma_start3A_61 : memref<1000001x64xf32, #tpu.memory_space<hbm>>) target(%dma_start3A_55 : memref<40x64xf32, #tpu.memory_space<vmem>>) offsets(%dma_start3A_58 : memref<40xi32, #tpu.memory_space<vmem>>) semaphore(%arg8 : memref<!tpu.dma_semaphore, #tpu.memory_space<semaphore_mem>>)
    %dma_start3A_62 = arith.constant 1 : i32
    %dma_start3A_63 = arith.constant 1 : i32
    %dma_start3A_64 = arith.constant 0 : i32
    %dma_start3A_65 = arith.constant 0 : i32
    %dma_start3A_66 = tpu.memref_slice %arg6[%dma_start3A_63, %dma_start3A_64, %dma_start3A_65] : memref<4x200x64xf32, #tpu.memory_space<vmem>> -> memref<1x40x64xf32, #tpu.memory_space<vmem>>
    %dma_start3A_67 = tpu.memref_squeeze %dma_start3A_66 : memref<1x40x64xf32, #tpu.memory_space<vmem>> -> memref<40x64xf32, #tpu.memory_space<vmem>>
    %dma_start3A_68 = arith.constant 0 : i32
    %dma_start3A_69 = tpu.memref_slice %arg5[%dma_start3A_62, %dma_start3A_68] : memref<128x200xi32, #tpu.memory_space<vmem>> -> memref<1x40xi32, #tpu.memory_space<vmem>>
    %dma_start3A_70 = tpu.memref_squeeze %dma_start3A_69 : memref<1x40xi32, #tpu.memory_space<vmem>> -> memref<40xi32, #tpu.memory_space<vmem>>
    %dma_start3A_71 = arith.constant 0 : i32
    %dma_start3A_72 = arith.constant 0 : i32
    %dma_start3A_73 = tpu.memref_slice %arg2[%dma_start3A_71, %dma_start3A_72] : memref<1000001x64xf32, #tpu.memory_space<hbm>> -> memref<1000001x64xf32, #tpu.memory_space<hbm>>
    tpu.enqueue_indirect_dma source(%dma_start3A_73 : memref<1000001x64xf32, #tpu.memory_space<hbm>>) target(%dma_start3A_67 : memref<40x64xf32, #tpu.memory_space<vmem>>) offsets(%dma_start3A_70 : memref<40xi32, #tpu.memory_space<vmem>>) semaphore(%arg9 : memref<!tpu.dma_semaphore, #tpu.memory_space<semaphore_mem>>)
    %dma_start3A_74 = arith.constant 1 : i32
    %dma_start3A_75 = arith.constant 1 : i32
    %dma_start3A_76 = arith.constant 40 : i32
    %dma_start3A_77 = arith.constant 0 : i32
    %dma_start3A_78 = tpu.memref_slice %arg6[%dma_start3A_75, %dma_start3A_76, %dma_start3A_77] : memref<4x200x64xf32, #tpu.memory_space<vmem>> -> memref<1x40x64xf32, #tpu.memory_space<vmem>>
    %dma_start3A_79 = tpu.memref_squeeze %dma_start3A_78 : memref<1x40x64xf32, #tpu.memory_space<vmem>> -> memref<40x64xf32, #tpu.memory_space<vmem>>
    %dma_start3A_80 = arith.constant 40 : i32
    %dma_start3A_81 = tpu.memref_slice %arg5[%dma_start3A_74, %dma_start3A_80] : memref<128x200xi32, #tpu.memory_space<vmem>> -> memref<1x40xi32, #tpu.memory_space<vmem>>
    %dma_start3A_82 = tpu.memref_squeeze %dma_start3A_81 : memref<1x40xi32, #tpu.memory_space<vmem>> -> memref<40xi32, #tpu.memory_space<vmem>>
    %dma_start3A_83 = arith.constant 0 : i32
    %dma_start3A_84 = arith.constant 0 : i32
    %dma_start3A_85 = tpu.memref_slice %arg2[%dma_start3A_83, %dma_start3A_84] : memref<1000001x64xf32, #tpu.memory_space<hbm>> -> memref<1000001x64xf32, #tpu.memory_space<hbm>>
    tpu.enqueue_indirect_dma source(%dma_start3A_85 : memref<1000001x64xf32, #tpu.memory_space<hbm>>) target(%dma_start3A_79 : memref<40x64xf32, #tpu.memory_space<vmem>>) offsets(%dma_start3A_82 : memref<40xi32, #tpu.memory_space<vmem>>) semaphore(%arg9 : memref<!tpu.dma_semaphore, #tpu.memory_space<semaphore_mem>>)
    %dma_start3A_86 = arith.constant 1 : i32
    %dma_start3A_87 = arith.constant 1 : i32
    %dma_start3A_88 = arith.constant 80 : i32
    %dma_start3A_89 = arith.constant 0 : i32
    %dma_start3A_90 = tpu.memref_slice %arg6[%dma_start3A_87, %dma_start3A_88, %dma_start3A_89] : memref<4x200x64xf32, #tpu.memory_space<vmem>> -> memref<1x40x64xf32, #tpu.memory_space<vmem>>
    %dma_start3A_91 = tpu.memref_squeeze %dma_start3A_90 : memref<1x40x64xf32, #tpu.memory_space<vmem>> -> memref<40x64xf32, #tpu.memory_space<vmem>>
    %dma_start3A_92 = arith.constant 80 : i32
    %dma_start3A_93 = tpu.memref_slice %arg5[%dma_start3A_86, %dma_start3A_92] : memref<128x200xi32, #tpu.memory_space<vmem>> -> memref<1x40xi32, #tpu.memory_space<vmem>>
    %dma_start3A_94 = tpu.memref_squeeze %dma_start3A_93 : memref<1x40xi32, #tpu.memory_space<vmem>> -> memref<40xi32, #tpu.memory_space<vmem>>
    %dma_start3A_95 = arith.constant 0 : i32
    %dma_start3A_96 = arith.constant 0 : i32
    %dma_start3A_97 = tpu.memref_slice %arg2[%dma_start3A_95, %dma_start3A_96] : memref<1000001x64xf32, #tpu.memory_space<hbm>> -> memref<1000001x64xf32, #tpu.memory_space<hbm>>
    tpu.enqueue_indirect_dma source(%dma_start3A_97 : memref<1000001x64xf32, #tpu.memory_space<hbm>>) target(%dma_start3A_91 : memref<40x64xf32, #tpu.memory_space<vmem>>) offsets(%dma_start3A_94 : memref<40xi32, #tpu.memory_space<vmem>>) semaphore(%arg9 : memref<!tpu.dma_semaphore, #tpu.memory_space<semaphore_mem>>)
    %dma_start3A_98 = arith.constant 1 : i32
    %dma_start3A_99 = arith.constant 1 : i32
    %dma_start3A_100 = arith.constant 120 : i32
    %dma_start3A_101 = arith.constant 0 : i32
    %dma_start3A_102 = tpu.memref_slice %arg6[%dma_start3A_99, %dma_start3A_100, %dma_start3A_101] : memref<4x200x64xf32, #tpu.memory_space<vmem>> -> memref<1x40x64xf32, #tpu.memory_space<vmem>>
    %dma_start3A_103 = tpu.memref_squeeze %dma_start3A_102 : memref<1x40x64xf32, #tpu.memory_space<vmem>> -> memref<40x64xf32, #tpu.memory_space<vmem>>
    %dma_start3A_104 = arith.constant 120 : i32
    %dma_start3A_105 = tpu.memref_slice %arg5[%dma_start3A_98, %dma_start3A_104] : memref<128x200xi32, #tpu.memory_space<vmem>> -> memref<1x40xi32, #tpu.memory_space<vmem>>
    %dma_start3A_106 = tpu.memref_squeeze %dma_start3A_105 : memref<1x40xi32, #tpu.memory_space<vmem>> -> memref<40xi32, #tpu.memory_space<vmem>>
    %dma_start3A_107 = arith.constant 0 : i32
    %dma_start3A_108 = arith.constant 0 : i32
    %dma_start3A_109 = tpu.memref_slice %arg2[%dma_start3A_107, %dma_start3A_108] : memref<1000001x64xf32, #tpu.memory_space<hbm>> -> memref<1000001x64xf32, #tpu.memory_space<hbm>>
    tpu.enqueue_indirect_dma source(%dma_start3A_109 : memref<1000001x64xf32, #tpu.memory_space<hbm>>) target(%dma_start3A_103 : memref<40x64xf32, #tpu.memory_space<vmem>>) offsets(%dma_start3A_106 : memref<40xi32, #tpu.memory_space<vmem>>) semaphore(%arg9 : memref<!tpu.dma_semaphore, #tpu.memory_space<semaphore_mem>>)
    %dma_start3A_110 = arith.constant 1 : i32
    %dma_start3A_111 = arith.constant 1 : i32
    %dma_start3A_112 = arith.constant 160 : i32
    %dma_start3A_113 = arith.constant 0 : i32
    %dma_start3A_114 = tpu.memref_slice %arg6[%dma_start3A_111, %dma_start3A_112, %dma_start3A_113] : memref<4x200x64xf32, #tpu.memory_space<vmem>> -> memref<1x40x64xf32, #tpu.memory_space<vmem>>
    %dma_start3A_115 = tpu.memref_squeeze %dma_start3A_114 : memref<1x40x64xf32, #tpu.memory_space<vmem>> -> memref<40x64xf32, #tpu.memory_space<vmem>>
    %dma_start3A_116 = arith.constant 160 : i32
    %dma_start3A_117 = tpu.memref_slice %arg5[%dma_start3A_110, %dma_start3A_116] : memref<128x200xi32, #tpu.memory_space<vmem>> -> memref<1x40xi32, #tpu.memory_space<vmem>>
    %dma_start3A_118 = tpu.memref_squeeze %dma_start3A_117 : memref<1x40xi32, #tpu.memory_space<vmem>> -> memref<40xi32, #tpu.memory_space<vmem>>
    %dma_start3A_119 = arith.constant 0 : i32
    %dma_start3A_120 = arith.constant 0 : i32
    %dma_start3A_121 = tpu.memref_slice %arg2[%dma_start3A_119, %dma_start3A_120] : memref<1000001x64xf32, #tpu.memory_space<hbm>> -> memref<1000001x64xf32, #tpu.memory_space<hbm>>
    tpu.enqueue_indirect_dma source(%dma_start3A_121 : memref<1000001x64xf32, #tpu.memory_space<hbm>>) target(%dma_start3A_115 : memref<40x64xf32, #tpu.memory_space<vmem>>) offsets(%dma_start3A_118 : memref<40xi32, #tpu.memory_space<vmem>>) semaphore(%arg9 : memref<!tpu.dma_semaphore, #tpu.memory_space<semaphore_mem>>)
    %dma_start3A_122 = arith.constant 2 : i32
    %dma_start3A_123 = arith.constant 2 : i32
    %dma_start3A_124 = arith.constant 0 : i32
    %dma_start3A_125 = arith.constant 0 : i32
    %dma_start3A_126 = tpu.memref_slice %arg6[%dma_start3A_123, %dma_start3A_124, %dma_start3A_125] : memref<4x200x64xf32, #tpu.memory_space<vmem>> -> memref<1x40x64xf32, #tpu.memory_space<vmem>>
    %dma_start3A_127 = tpu.memref_squeeze %dma_start3A_126 : memref<1x40x64xf32, #tpu.memory_space<vmem>> -> memref<40x64xf32, #tpu.memory_space<vmem>>
    %dma_start3A_128 = arith.constant 0 : i32
    %dma_start3A_129 = tpu.memref_slice %arg5[%dma_start3A_122, %dma_start3A_128] : memref<128x200xi32, #tpu.memory_space<vmem>> -> memref<1x40xi32, #tpu.memory_space<vmem>>
    %dma_start3A_130 = tpu.memref_squeeze %dma_start3A_129 : memref<1x40xi32, #tpu.memory_space<vmem>> -> memref<40xi32, #tpu.memory_space<vmem>>
    %dma_start3A_131 = arith.constant 0 : i32
    %dma_start3A_132 = arith.constant 0 : i32
    %dma_start3A_133 = tpu.memref_slice %arg2[%dma_start3A_131, %dma_start3A_132] : memref<1000001x64xf32, #tpu.memory_space<hbm>> -> memref<1000001x64xf32, #tpu.memory_space<hbm>>
    tpu.enqueue_indirect_dma source(%dma_start3A_133 : memref<1000001x64xf32, #tpu.memory_space<hbm>>) target(%dma_start3A_127 : memref<40x64xf32, #tpu.memory_space<vmem>>) offsets(%dma_start3A_130 : memref<40xi32, #tpu.memory_space<vmem>>) semaphore(%arg10 : memref<!tpu.dma_semaphore, #tpu.memory_space<semaphore_mem>>)
    %dma_start3A_134 = arith.constant 2 : i32
    %dma_start3A_135 = arith.constant 2 : i32
    %dma_start3A_136 = arith.constant 40 : i32
    %dma_start3A_137 = arith.constant 0 : i32
    %dma_start3A_138 = tpu.memref_slice %arg6[%dma_start3A_135, %dma_start3A_136, %dma_start3A_137] : memref<4x200x64xf32, #tpu.memory_space<vmem>> -> memref<1x40x64xf32, #tpu.memory_space<vmem>>
    %dma_start3A_139 = tpu.memref_squeeze %dma_start3A_138 : memref<1x40x64xf32, #tpu.memory_space<vmem>> -> memref<40x64xf32, #tpu.memory_space<vmem>>
    %dma_start3A_140 = arith.constant 40 : i32
    %dma_start3A_141 = tpu.memref_slice %arg5[%dma_start3A_134, %dma_start3A_140] : memref<128x200xi32, #tpu.memory_space<vmem>> -> memref<1x40xi32, #tpu.memory_space<vmem>>
    %dma_start3A_142 = tpu.memref_squeeze %dma_start3A_141 : memref<1x40xi32, #tpu.memory_space<vmem>> -> memref<40xi32, #tpu.memory_space<vmem>>
    %dma_start3A_143 = arith.constant 0 : i32
    %dma_start3A_144 = arith.constant 0 : i32
    %dma_start3A_145 = tpu.memref_slice %arg2[%dma_start3A_143, %dma_start3A_144] : memref<1000001x64xf32, #tpu.memory_space<hbm>> -> memref<1000001x64xf32, #tpu.memory_space<hbm>>
    tpu.enqueue_indirect_dma source(%dma_start3A_145 : memref<1000001x64xf32, #tpu.memory_space<hbm>>) target(%dma_start3A_139 : memref<40x64xf32, #tpu.memory_space<vmem>>) offsets(%dma_start3A_142 : memref<40xi32, #tpu.memory_space<vmem>>) semaphore(%arg10 : memref<!tpu.dma_semaphore, #tpu.memory_space<semaphore_mem>>)
    %dma_start3A_146 = arith.constant 2 : i32
    %dma_start3A_147 = arith.constant 2 : i32
    %dma_start3A_148 = arith.constant 80 : i32
    %dma_start3A_149 = arith.constant 0 : i32
    %dma_start3A_150 = tpu.memref_slice %arg6[%dma_start3A_147, %dma_start3A_148, %dma_start3A_149] : memref<4x200x64xf32, #tpu.memory_space<vmem>> -> memref<1x40x64xf32, #tpu.memory_space<vmem>>
    %dma_start3A_151 = tpu.memref_squeeze %dma_start3A_150 : memref<1x40x64xf32, #tpu.memory_space<vmem>> -> memref<40x64xf32, #tpu.memory_space<vmem>>
    %dma_start3A_152 = arith.constant 80 : i32
    %dma_start3A_153 = tpu.memref_slice %arg5[%dma_start3A_146, %dma_start3A_152] : memref<128x200xi32, #tpu.memory_space<vmem>> -> memref<1x40xi32, #tpu.memory_space<vmem>>
    %dma_start3A_154 = tpu.memref_squeeze %dma_start3A_153 : memref<1x40xi32, #tpu.memory_space<vmem>> -> memref<40xi32, #tpu.memory_space<vmem>>
    %dma_start3A_155 = arith.constant 0 : i32
    %dma_start3A_156 = arith.constant 0 : i32
    %dma_start3A_157 = tpu.memref_slice %arg2[%dma_start3A_155, %dma_start3A_156] : memref<1000001x64xf32, #tpu.memory_space<hbm>> -> memref<1000001x64xf32, #tpu.memory_space<hbm>>
    tpu.enqueue_indirect_dma source(%dma_start3A_157 : memref<1000001x64xf32, #tpu.memory_space<hbm>>) target(%dma_start3A_151 : memref<40x64xf32, #tpu.memory_space<vmem>>) offsets(%dma_start3A_154 : memref<40xi32, #tpu.memory_space<vmem>>) semaphore(%arg10 : memref<!tpu.dma_semaphore, #tpu.memory_space<semaphore_mem>>)
    %dma_start3A_158 = arith.constant 2 : i32
    %dma_start3A_159 = arith.constant 2 : i32
    %dma_start3A_160 = arith.constant 120 : i32
    %dma_start3A_161 = arith.constant 0 : i32
    %dma_start3A_162 = tpu.memref_slice %arg6[%dma_start3A_159, %dma_start3A_160, %dma_start3A_161] : memref<4x200x64xf32, #tpu.memory_space<vmem>> -> memref<1x40x64xf32, #tpu.memory_space<vmem>>
    %dma_start3A_163 = tpu.memref_squeeze %dma_start3A_162 : memref<1x40x64xf32, #tpu.memory_space<vmem>> -> memref<40x64xf32, #tpu.memory_space<vmem>>
    %dma_start3A_164 = arith.constant 120 : i32
    %dma_start3A_165 = tpu.memref_slice %arg5[%dma_start3A_158, %dma_start3A_164] : memref<128x200xi32, #tpu.memory_space<vmem>> -> memref<1x40xi32, #tpu.memory_space<vmem>>
    %dma_start3A_166 = tpu.memref_squeeze %dma_start3A_165 : memref<1x40xi32, #tpu.memory_space<vmem>> -> memref<40xi32, #tpu.memory_space<vmem>>
    %dma_start3A_167 = arith.constant 0 : i32
    %dma_start3A_168 = arith.constant 0 : i32
    %dma_start3A_169 = tpu.memref_slice %arg2[%dma_start3A_167, %dma_start3A_168] : memref<1000001x64xf32, #tpu.memory_space<hbm>> -> memref<1000001x64xf32, #tpu.memory_space<hbm>>
    tpu.enqueue_indirect_dma source(%dma_start3A_169 : memref<1000001x64xf32, #tpu.memory_space<hbm>>) target(%dma_start3A_163 : memref<40x64xf32, #tpu.memory_space<vmem>>) offsets(%dma_start3A_166 : memref<40xi32, #tpu.memory_space<vmem>>) semaphore(%arg10 : memref<!tpu.dma_semaphore, #tpu.memory_space<semaphore_mem>>)
    %dma_start3A_170 = arith.constant 2 : i32
    %dma_start3A_171 = arith.constant 2 : i32
    %dma_start3A_172 = arith.constant 160 : i32
    %dma_start3A_173 = arith.constant 0 : i32
    %dma_start3A_174 = tpu.memref_slice %arg6[%dma_start3A_171, %dma_start3A_172, %dma_start3A_173] : memref<4x200x64xf32, #tpu.memory_space<vmem>> -> memref<1x40x64xf32, #tpu.memory_space<vmem>>
    %dma_start3A_175 = tpu.memref_squeeze %dma_start3A_174 : memref<1x40x64xf32, #tpu.memory_space<vmem>> -> memref<40x64xf32, #tpu.memory_space<vmem>>
    %dma_start3A_176 = arith.constant 160 : i32
    %dma_start3A_177 = tpu.memref_slice %arg5[%dma_start3A_170, %dma_start3A_176] : memref<128x200xi32, #tpu.memory_space<vmem>> -> memref<1x40xi32, #tpu.memory_space<vmem>>
    %dma_start3A_178 = tpu.memref_squeeze %dma_start3A_177 : memref<1x40xi32, #tpu.memory_space<vmem>> -> memref<40xi32, #tpu.memory_space<vmem>>
    %dma_start3A_179 = arith.constant 0 : i32
    %dma_start3A_180 = arith.constant 0 : i32
    %dma_start3A_181 = tpu.memref_slice %arg2[%dma_start3A_179, %dma_start3A_180] : memref<1000001x64xf32, #tpu.memory_space<hbm>> -> memref<1000001x64xf32, #tpu.memory_space<hbm>>
    tpu.enqueue_indirect_dma source(%dma_start3A_181 : memref<1000001x64xf32, #tpu.memory_space<hbm>>) target(%dma_start3A_175 : memref<40x64xf32, #tpu.memory_space<vmem>>) offsets(%dma_start3A_178 : memref<40xi32, #tpu.memory_space<vmem>>) semaphore(%arg10 : memref<!tpu.dma_semaphore, #tpu.memory_space<semaphore_mem>>)
    %dma_start3A_182 = arith.constant 3 : i32
    %dma_start3A_183 = arith.constant 3 : i32
    %dma_start3A_184 = arith.constant 0 : i32
    %dma_start3A_185 = arith.constant 0 : i32
    %dma_start3A_186 = tpu.memref_slice %arg6[%dma_start3A_183, %dma_start3A_184, %dma_start3A_185] : memref<4x200x64xf32, #tpu.memory_space<vmem>> -> memref<1x40x64xf32, #tpu.memory_space<vmem>>
    %dma_start3A_187 = tpu.memref_squeeze %dma_start3A_186 : memref<1x40x64xf32, #tpu.memory_space<vmem>> -> memref<40x64xf32, #tpu.memory_space<vmem>>
    %dma_start3A_188 = arith.constant 0 : i32
    %dma_start3A_189 = tpu.memref_slice %arg5[%dma_start3A_182, %dma_start3A_188] : memref<128x200xi32, #tpu.memory_space<vmem>> -> memref<1x40xi32, #tpu.memory_space<vmem>>
    %dma_start3A_190 = tpu.memref_squeeze %dma_start3A_189 : memref<1x40xi32, #tpu.memory_space<vmem>> -> memref<40xi32, #tpu.memory_space<vmem>>
    %dma_start3A_191 = arith.constant 0 : i32
    %dma_start3A_192 = arith.constant 0 : i32
    %dma_start3A_193 = tpu.memref_slice %arg2[%dma_start3A_191, %dma_start3A_192] : memref<1000001x64xf32, #tpu.memory_space<hbm>> -> memref<1000001x64xf32, #tpu.memory_space<hbm>>
    tpu.enqueue_indirect_dma source(%dma_start3A_193 : memref<1000001x64xf32, #tpu.memory_space<hbm>>) target(%dma_start3A_187 : memref<40x64xf32, #tpu.memory_space<vmem>>) offsets(%dma_start3A_190 : memref<40xi32, #tpu.memory_space<vmem>>) semaphore(%arg11 : memref<!tpu.dma_semaphore, #tpu.memory_space<semaphore_mem>>)
    %dma_start3A_194 = arith.constant 3 : i32
    %dma_start3A_195 = arith.constant 3 : i32
    %dma_start3A_196 = arith.constant 40 : i32
    %dma_start3A_197 = arith.constant 0 : i32
    %dma_start3A_198 = tpu.memref_slice %arg6[%dma_start3A_195, %dma_start3A_196, %dma_start3A_197] : memref<4x200x64xf32, #tpu.memory_space<vmem>> -> memref<1x40x64xf32, #tpu.memory_space<vmem>>
    %dma_start3A_199 = tpu.memref_squeeze %dma_start3A_198 : memref<1x40x64xf32, #tpu.memory_space<vmem>> -> memref<40x64xf32, #tpu.memory_space<vmem>>
    %dma_start3A_200 = arith.constant 40 : i32
    %dma_start3A_201 = tpu.memref_slice %arg5[%dma_start3A_194, %dma_start3A_200] : memref<128x200xi32, #tpu.memory_space<vmem>> -> memref<1x40xi32, #tpu.memory_space<vmem>>
    %dma_start3A_202 = tpu.memref_squeeze %dma_start3A_201 : memref<1x40xi32, #tpu.memory_space<vmem>> -> memref<40xi32, #tpu.memory_space<vmem>>
    %dma_start3A_203 = arith.constant 0 : i32
    %dma_start3A_204 = arith.constant 0 : i32
    %dma_start3A_205 = tpu.memref_slice %arg2[%dma_start3A_203, %dma_start3A_204] : memref<1000001x64xf32, #tpu.memory_space<hbm>> -> memref<1000001x64xf32, #tpu.memory_space<hbm>>
    tpu.enqueue_indirect_dma source(%dma_start3A_205 : memref<1000001x64xf32, #tpu.memory_space<hbm>>) target(%dma_start3A_199 : memref<40x64xf32, #tpu.memory_space<vmem>>) offsets(%dma_start3A_202 : memref<40xi32, #tpu.memory_space<vmem>>) semaphore(%arg11 : memref<!tpu.dma_semaphore, #tpu.memory_space<semaphore_mem>>)
    %dma_start3A_206 = arith.constant 3 : i32
    %dma_start3A_207 = arith.constant 3 : i32
    %dma_start3A_208 = arith.constant 80 : i32
    %dma_start3A_209 = arith.constant 0 : i32
    %dma_start3A_210 = tpu.memref_slice %arg6[%dma_start3A_207, %dma_start3A_208, %dma_start3A_209] : memref<4x200x64xf32, #tpu.memory_space<vmem>> -> memref<1x40x64xf32, #tpu.memory_space<vmem>>
    %dma_start3A_211 = tpu.memref_squeeze %dma_start3A_210 : memref<1x40x64xf32, #tpu.memory_space<vmem>> -> memref<40x64xf32, #tpu.memory_space<vmem>>
    %dma_start3A_212 = arith.constant 80 : i32
    %dma_start3A_213 = tpu.memref_slice %arg5[%dma_start3A_206, %dma_start3A_212] : memref<128x200xi32, #tpu.memory_space<vmem>> -> memref<1x40xi32, #tpu.memory_space<vmem>>
    %dma_start3A_214 = tpu.memref_squeeze %dma_start3A_213 : memref<1x40xi32, #tpu.memory_space<vmem>> -> memref<40xi32, #tpu.memory_space<vmem>>
    %dma_start3A_215 = arith.constant 0 : i32
    %dma_start3A_216 = arith.constant 0 : i32
    %dma_start3A_217 = tpu.memref_slice %arg2[%dma_start3A_215, %dma_start3A_216] : memref<1000001x64xf32, #tpu.memory_space<hbm>> -> memref<1000001x64xf32, #tpu.memory_space<hbm>>
    tpu.enqueue_indirect_dma source(%dma_start3A_217 : memref<1000001x64xf32, #tpu.memory_space<hbm>>) target(%dma_start3A_211 : memref<40x64xf32, #tpu.memory_space<vmem>>) offsets(%dma_start3A_214 : memref<40xi32, #tpu.memory_space<vmem>>) semaphore(%arg11 : memref<!tpu.dma_semaphore, #tpu.memory_space<semaphore_mem>>)
    %dma_start3A_218 = arith.constant 3 : i32
    %dma_start3A_219 = arith.constant 3 : i32
    %dma_start3A_220 = arith.constant 120 : i32
    %dma_start3A_221 = arith.constant 0 : i32
    %dma_start3A_222 = tpu.memref_slice %arg6[%dma_start3A_219, %dma_start3A_220, %dma_start3A_221] : memref<4x200x64xf32, #tpu.memory_space<vmem>> -> memref<1x40x64xf32, #tpu.memory_space<vmem>>
    %dma_start3A_223 = tpu.memref_squeeze %dma_start3A_222 : memref<1x40x64xf32, #tpu.memory_space<vmem>> -> memref<40x64xf32, #tpu.memory_space<vmem>>
    %dma_start3A_224 = arith.constant 120 : i32
    %dma_start3A_225 = tpu.memref_slice %arg5[%dma_start3A_218, %dma_start3A_224] : memref<128x200xi32, #tpu.memory_space<vmem>> -> memref<1x40xi32, #tpu.memory_space<vmem>>
    %dma_start3A_226 = tpu.memref_squeeze %dma_start3A_225 : memref<1x40xi32, #tpu.memory_space<vmem>> -> memref<40xi32, #tpu.memory_space<vmem>>
    %dma_start3A_227 = arith.constant 0 : i32
    %dma_start3A_228 = arith.constant 0 : i32
    %dma_start3A_229 = tpu.memref_slice %arg2[%dma_start3A_227, %dma_start3A_228] : memref<1000001x64xf32, #tpu.memory_space<hbm>> -> memref<1000001x64xf32, #tpu.memory_space<hbm>>
    tpu.enqueue_indirect_dma source(%dma_start3A_229 : memref<1000001x64xf32, #tpu.memory_space<hbm>>) target(%dma_start3A_223 : memref<40x64xf32, #tpu.memory_space<vmem>>) offsets(%dma_start3A_226 : memref<40xi32, #tpu.memory_space<vmem>>) semaphore(%arg11 : memref<!tpu.dma_semaphore, #tpu.memory_space<semaphore_mem>>)
    %dma_start3A_230 = arith.constant 3 : i32
    %dma_start3A_231 = arith.constant 3 : i32
    %dma_start3A_232 = arith.constant 160 : i32
    %dma_start3A_233 = arith.constant 0 : i32
    %dma_start3A_234 = tpu.memref_slice %arg6[%dma_start3A_231, %dma_start3A_232, %dma_start3A_233] : memref<4x200x64xf32, #tpu.memory_space<vmem>> -> memref<1x40x64xf32, #tpu.memory_space<vmem>>
    %dma_start3A_235 = tpu.memref_squeeze %dma_start3A_234 : memref<1x40x64xf32, #tpu.memory_space<vmem>> -> memref<40x64xf32, #tpu.memory_space<vmem>>
    %dma_start3A_236 = arith.constant 160 : i32
    %dma_start3A_237 = tpu.memref_slice %arg5[%dma_start3A_230, %dma_start3A_236] : memref<128x200xi32, #tpu.memory_space<vmem>> -> memref<1x40xi32, #tpu.memory_space<vmem>>
    %dma_start3A_238 = tpu.memref_squeeze %dma_start3A_237 : memref<1x40xi32, #tpu.memory_space<vmem>> -> memref<40xi32, #tpu.memory_space<vmem>>
    %dma_start3A_239 = arith.constant 0 : i32
    %dma_start3A_240 = arith.constant 0 : i32
    %dma_start3A_241 = tpu.memref_slice %arg2[%dma_start3A_239, %dma_start3A_240] : memref<1000001x64xf32, #tpu.memory_space<hbm>> -> memref<1000001x64xf32, #tpu.memory_space<hbm>>
    tpu.enqueue_indirect_dma source(%dma_start3A_241 : memref<1000001x64xf32, #tpu.memory_space<hbm>>) target(%dma_start3A_235 : memref<40x64xf32, #tpu.memory_space<vmem>>) offsets(%dma_start3A_238 : memref<40xi32, #tpu.memory_space<vmem>>) semaphore(%arg11 : memref<!tpu.dma_semaphore, #tpu.memory_space<semaphore_mem>>)
    %scan3A = arith.constant 0 : i32
    %scan3A_242 = arith.constant 0 : i32
    %scan3A_243 = arith.constant 32 : i32
    %scan3A_244 = arith.addi %scan3A_242, %scan3A_243 : i32
    %scan3A_245 = arith.constant 1 : i32
    %scan3A_246 = scf.for %scan3A_250 = %scan3A_242 to %scan3A_244 step %scan3A_245 iter_args(%scan3A_251 = %scan3A) -> (i32)  : i32 {
      %mul3A_252 = arith.constant 4 : i32
      %mul3A_253 = arith.muli %scan3A_250, %mul3A_252 : i32
      %add3A_254 = arith.constant 0 : i32
      %add3A_255 = arith.addi %mul3A_253, %add3A_254 : i32
      %dma_wait3A = arith.constant 0 : i32
      %dma_wait3A_256 = arith.constant 0 : i32
      %dma_wait3A_257 = arith.constant 0 : i32
      %dma_wait3A_258 = tpu.memref_slice %arg6[%dma_wait3A, %dma_wait3A_256, %dma_wait3A_257] : memref<4x200x64xf32, #tpu.memory_space<vmem>> -> memref<1x200x64xf32, #tpu.memory_space<vmem>>
      %dma_wait3A_259 = tpu.memref_squeeze %dma_wait3A_258 : memref<1x200x64xf32, #tpu.memory_space<vmem>> -> memref<200x64xf32, #tpu.memory_space<vmem>>
      %dma_wait3A_260 = arith.constant 0 : i32
      %dma_wait3A_261 = arith.constant 0 : i32
      %dma_wait3A_262 = tpu.memref_slice %arg2[%dma_wait3A_260, %dma_wait3A_261] : memref<1000001x64xf32, #tpu.memory_space<hbm>> -> memref<200x64xf32, #tpu.memory_space<hbm>>
      %dma_wait3A_263 = arith.constant 0 : i32
      %dma_wait3A_264 = arith.constant 0 : i32
      %dma_wait3A_265 = tpu.memref_slice %arg6[%dma_wait3A, %dma_wait3A_263, %dma_wait3A_264] : memref<4x200x64xf32, #tpu.memory_space<vmem>> -> memref<1x200x64xf32, #tpu.memory_space<vmem>>
      %dma_wait3A_266 = tpu.memref_squeeze %dma_wait3A_265 : memref<1x200x64xf32, #tpu.memory_space<vmem>> -> memref<200x64xf32, #tpu.memory_space<vmem>>
      %dma_wait3A_267 = arith.constant 0 : i32
      %dma_wait3A_268 = arith.constant 0 : i32
      %dma_wait3A_269 = tpu.memref_slice %arg2[%dma_wait3A_267, %dma_wait3A_268] : memref<1000001x64xf32, #tpu.memory_space<hbm>> -> memref<200x64xf32, #tpu.memory_space<hbm>>
      tpu.wait_dma2 semaphore(%arg8 : memref<!tpu.dma_semaphore, #tpu.memory_space<semaphore_mem>>) src(%dma_wait3A_269 : memref<200x64xf32, #tpu.memory_space<hbm>>) dst(%dma_wait3A_266 : memref<200x64xf32, #tpu.memory_space<vmem>>)
      %broadcast_in_dim3A = arith.constant 0.000000e+00 : f32
      %broadcast_in_dim3A_270 = vector.broadcast %broadcast_in_dim3A : f32 to vector<16xf32>
      %scan3A_271 = arith.constant 0 : i32
      %scan3A_272 = arith.constant 25 : i32
      %scan3A_273 = arith.addi %scan3A_271, %scan3A_272 : i32
      %scan3A_274 = arith.constant 1 : i32
      %scan3A_275:4 = scf.for %scan3A_463 = %scan3A_271 to %scan3A_273 step %scan3A_274 iter_args(%scan3A_464 = %broadcast_in_dim3A_270, %scan3A_465 = %broadcast_in_dim3A_270, %scan3A_466 = %broadcast_in_dim3A_270, %scan3A_467 = %broadcast_in_dim3A_270) -> (vector<16xf32>, vector<16xf32>, vector<16xf32>, vector<16xf32>)  : i32 {
        %mul3A_468 = arith.constant 8 : i32
        %mul3A_469 = arith.muli %scan3A_463, %mul3A_468 : i32
        %add3A_470 = arith.constant 0 : i32
        %add3A_471 = arith.addi %mul3A_469, %add3A_470 : i32
        %get3A = arith.constant 0 : i32
        %get3A_472 = arith.index_cast %get3A : i32 to index
        %get3A_473 = arith.index_cast %add3A_471 : i32 to index
        %get3A_474 = arith.constant 0 : index
        %get3A_475 = tpu.vector_load %arg6[%get3A_472, %get3A_473, %get3A_474] {strides = array<i32>} : memref<4x200x64xf32, #tpu.memory_space<vmem>>, vector<1x1x16xf32>,
        %get3A_476 = vector.shape_cast %get3A_475 : vector<1x1x16xf32> to vector<16xf32>
        %add3A_477 = arith.addf %scan3A_464, %get3A_476 : vector<16xf32>
        %get3A_478 = arith.constant 0 : i32
        %get3A_479 = arith.index_cast %get3A_478 : i32 to index
        %get3A_480 = arith.index_cast %add3A_471 : i32 to index
        %get3A_481 = arith.constant 16 : index
        %get3A_482 = tpu.vector_load %arg6[%get3A_479, %get3A_480, %get3A_481] {strides = array<i32>} : memref<4x200x64xf32, #tpu.memory_space<vmem>>, vector<1x1x16xf32>,
        %get3A_483 = vector.shape_cast %get3A_482 : vector<1x1x16xf32> to vector<16xf32>
        %add3A_484 = arith.addf %scan3A_465, %get3A_483 : vector<16xf32>
        %get3A_485 = arith.constant 0 : i32
        %get3A_486 = arith.index_cast %get3A_485 : i32 to index
        %get3A_487 = arith.index_cast %add3A_471 : i32 to index
        %get3A_488 = arith.constant 32 : index
        %get3A_489 = tpu.vector_load %arg6[%get3A_486, %get3A_487, %get3A_488] {strides = array<i32>} : memref<4x200x64xf32, #tpu.memory_space<vmem>>, vector<1x1x16xf32>,
        %get3A_490 = vector.shape_cast %get3A_489 : vector<1x1x16xf32> to vector<16xf32>
        %add3A_491 = arith.addf %scan3A_466, %get3A_490 : vector<16xf32>
        %get3A_492 = arith.constant 0 : i32
        %get3A_493 = arith.index_cast %get3A_492 : i32 to index
        %get3A_494 = arith.index_cast %add3A_471 : i32 to index
        %get3A_495 = arith.constant 48 : index
        %get3A_496 = tpu.vector_load %arg6[%get3A_493, %get3A_494, %get3A_495] {strides = array<i32>} : memref<4x200x64xf32, #tpu.memory_space<vmem>>, vector<1x1x16xf32>,
        %get3A_497 = vector.shape_cast %get3A_496 : vector<1x1x16xf32> to vector<16xf32>
        %add3A_498 = arith.addf %scan3A_467, %get3A_497 : vector<16xf32>
        %mul3A_499 = arith.constant 8 : i32
        %mul3A_500 = arith.muli %scan3A_463, %mul3A_499 : i32
        %add3A_501 = arith.constant 1 : i32
        %add3A_502 = arith.addi %mul3A_500, %add3A_501 : i32
        %get3A_503 = arith.constant 0 : i32
        %get3A_504 = arith.index_cast %get3A_503 : i32 to index
        %get3A_505 = arith.index_cast %add3A_502 : i32 to index
        %get3A_506 = arith.constant 0 : index
        %get3A_507 = tpu.vector_load %arg6[%get3A_504, %get3A_505, %get3A_506] {strides = array<i32>} : memref<4x200x64xf32, #tpu.memory_space<vmem>>, vector<1x1x16xf32>,
        %get3A_508 = vector.shape_cast %get3A_507 : vector<1x1x16xf32> to vector<16xf32>
        %add3A_509 = arith.addf %add3A_477, %get3A_508 : vector<16xf32>
        %get3A_510 = arith.constant 0 : i32
        %get3A_511 = arith.index_cast %get3A_510 : i32 to index
        %get3A_512 = arith.index_cast %add3A_502 : i32 to index
        %get3A_513 = arith.constant 16 : index
        %get3A_514 = tpu.vector_load %arg6[%get3A_511, %get3A_512, %get3A_513] {strides = array<i32>} : memref<4x200x64xf32, #tpu.memory_space<vmem>>, vector<1x1x16xf32>,
        %get3A_515 = vector.shape_cast %get3A_514 : vector<1x1x16xf32> to vector<16xf32>
        %add3A_516 = arith.addf %add3A_484, %get3A_515 : vector<16xf32>
        %get3A_517 = arith.constant 0 : i32
        %get3A_518 = arith.index_cast %get3A_517 : i32 to index
        %get3A_519 = arith.index_cast %add3A_502 : i32 to index
        %get3A_520 = arith.constant 32 : index
        %get3A_521 = tpu.vector_load %arg6[%get3A_518, %get3A_519, %get3A_520] {strides = array<i32>} : memref<4x200x64xf32, #tpu.memory_space<vmem>>, vector<1x1x16xf32>,
        %get3A_522 = vector.shape_cast %get3A_521 : vector<1x1x16xf32> to vector<16xf32>
        %add3A_523 = arith.addf %add3A_491, %get3A_522 : vector<16xf32>
        %get3A_524 = arith.constant 0 : i32
        %get3A_525 = arith.index_cast %get3A_524 : i32 to index
        %get3A_526 = arith.index_cast %add3A_502 : i32 to index
        %get3A_527 = arith.constant 48 : index
        %get3A_528 = tpu.vector_load %arg6[%get3A_525, %get3A_526, %get3A_527] {strides = array<i32>} : memref<4x200x64xf32, #tpu.memory_space<vmem>>, vector<1x1x16xf32>,
        %get3A_529 = vector.shape_cast %get3A_528 : vector<1x1x16xf32> to vector<16xf32>
        %add3A_530 = arith.addf %add3A_498, %get3A_529 : vector<16xf32>
        %mul3A_531 = arith.constant 8 : i32
        %mul3A_532 = arith.muli %scan3A_463, %mul3A_531 : i32
        %add3A_533 = arith.constant 2 : i32
        %add3A_534 = arith.addi %mul3A_532, %add3A_533 : i32
        %get3A_535 = arith.constant 0 : i32
        %get3A_536 = arith.index_cast %get3A_535 : i32 to index
        %get3A_537 = arith.index_cast %add3A_534 : i32 to index
        %get3A_538 = arith.constant 0 : index
        %get3A_539 = tpu.vector_load %arg6[%get3A_536, %get3A_537, %get3A_538] {strides = array<i32>} : memref<4x200x64xf32, #tpu.memory_space<vmem>>, vector<1x1x16xf32>,
        %get3A_540 = vector.shape_cast %get3A_539 : vector<1x1x16xf32> to vector<16xf32>
        %add3A_541 = arith.addf %add3A_509, %get3A_540 : vector<16xf32>
        %get3A_542 = arith.constant 0 : i32
        %get3A_543 = arith.index_cast %get3A_542 : i32 to index
        %get3A_544 = arith.index_cast %add3A_534 : i32 to index
        %get3A_545 = arith.constant 16 : index
        %get3A_546 = tpu.vector_load %arg6[%get3A_543, %get3A_544, %get3A_545] {strides = array<i32>} : memref<4x200x64xf32, #tpu.memory_space<vmem>>, vector<1x1x16xf32>,
        %get3A_547 = vector.shape_cast %get3A_546 : vector<1x1x16xf32> to vector<16xf32>
        %add3A_548 = arith.addf %add3A_516, %get3A_547 : vector<16xf32>
        %get3A_549 = arith.constant 0 : i32
        %get3A_550 = arith.index_cast %get3A_549 : i32 to index
        %get3A_551 = arith.index_cast %add3A_534 : i32 to index
        %get3A_552 = arith.constant 32 : index
        %get3A_553 = tpu.vector_load %arg6[%get3A_550, %get3A_551, %get3A_552] {strides = array<i32>} : memref<4x200x64xf32, #tpu.memory_space<vmem>>, vector<1x1x16xf32>,
        %get3A_554 = vector.shape_cast %get3A_553 : vector<1x1x16xf32> to vector<16xf32>
        %add3A_555 = arith.addf %add3A_523, %get3A_554 : vector<16xf32>
        %get3A_556 = arith.constant 0 : i32
        %get3A_557 = arith.index_cast %get3A_556 : i32 to index
        %get3A_558 = arith.index_cast %add3A_534 : i32 to index
        %get3A_559 = arith.constant 48 : index
        %get3A_560 = tpu.vector_load %arg6[%get3A_557, %get3A_558, %get3A_559] {strides = array<i32>} : memref<4x200x64xf32, #tpu.memory_space<vmem>>, vector<1x1x16xf32>,
        %get3A_561 = vector.shape_cast %get3A_560 : vector<1x1x16xf32> to vector<16xf32>
        %add3A_562 = arith.addf %add3A_530, %get3A_561 : vector<16xf32>
        %mul3A_563 = arith.constant 8 : i32
        %mul3A_564 = arith.muli %scan3A_463, %mul3A_563 : i32
        %add3A_565 = arith.constant 3 : i32
        %add3A_566 = arith.addi %mul3A_564, %add3A_565 : i32
        %get3A_567 = arith.constant 0 : i32
        %get3A_568 = arith.index_cast %get3A_567 : i32 to index
        %get3A_569 = arith.index_cast %add3A_566 : i32 to index
        %get3A_570 = arith.constant 0 : index
        %get3A_571 = tpu.vector_load %arg6[%get3A_568, %get3A_569, %get3A_570] {strides = array<i32>} : memref<4x200x64xf32, #tpu.memory_space<vmem>>, vector<1x1x16xf32>,
        %get3A_572 = vector.shape_cast %get3A_571 : vector<1x1x16xf32> to vector<16xf32>
        %add3A_573 = arith.addf %add3A_541, %get3A_572 : vector<16xf32>
        %get3A_574 = arith.constant 0 : i32
        %get3A_575 = arith.index_cast %get3A_574 : i32 to index
        %get3A_576 = arith.index_cast %add3A_566 : i32 to index
        %get3A_577 = arith.constant 16 : index
        %get3A_578 = tpu.vector_load %arg6[%get3A_575, %get3A_576, %get3A_577] {strides = array<i32>} : memref<4x200x64xf32, #tpu.memory_space<vmem>>, vector<1x1x16xf32>,
        %get3A_579 = vector.shape_cast %get3A_578 : vector<1x1x16xf32> to vector<16xf32>
        %add3A_580 = arith.addf %add3A_548, %get3A_579 : vector<16xf32>
        %get3A_581 = arith.constant 0 : i32
        %get3A_582 = arith.index_cast %get3A_581 : i32 to index
        %get3A_583 = arith.index_cast %add3A_566 : i32 to index
        %get3A_584 = arith.constant 32 : index
        %get3A_585 = tpu.vector_load %arg6[%get3A_582, %get3A_583, %get3A_584] {strides = array<i32>} : memref<4x200x64xf32, #tpu.memory_space<vmem>>, vector<1x1x16xf32>,
        %get3A_586 = vector.shape_cast %get3A_585 : vector<1x1x16xf32> to vector<16xf32>
        %add3A_587 = arith.addf %add3A_555, %get3A_586 : vector<16xf32>
        %get3A_588 = arith.constant 0 : i32
        %get3A_589 = arith.index_cast %get3A_588 : i32 to index
        %get3A_590 = arith.index_cast %add3A_566 : i32 to index
        %get3A_591 = arith.constant 48 : index
        %get3A_592 = tpu.vector_load %arg6[%get3A_589, %get3A_590, %get3A_591] {strides = array<i32>} : memref<4x200x64xf32, #tpu.memory_space<vmem>>, vector<1x1x16xf32>,
        %get3A_593 = vector.shape_cast %get3A_592 : vector<1x1x16xf32> to vector<16xf32>
        %add3A_594 = arith.addf %add3A_562, %get3A_593 : vector<16xf32>
        %mul3A_595 = arith.constant 8 : i32
        %mul3A_596 = arith.muli %scan3A_463, %mul3A_595 : i32
        %add3A_597 = arith.constant 4 : i32
        %add3A_598 = arith.addi %mul3A_596, %add3A_597 : i32
        %get3A_599 = arith.constant 0 : i32
        %get3A_600 = arith.index_cast %get3A_599 : i32 to index
        %get3A_601 = arith.index_cast %add3A_598 : i32 to index
        %get3A_602 = arith.constant 0 : index
        %get3A_603 = tpu.vector_load %arg6[%get3A_600, %get3A_601, %get3A_602] {strides = array<i32>} : memref<4x200x64xf32, #tpu.memory_space<vmem>>, vector<1x1x16xf32>,
        %get3A_604 = vector.shape_cast %get3A_603 : vector<1x1x16xf32> to vector<16xf32>
        %add3A_605 = arith.addf %add3A_573, %get3A_604 : vector<16xf32>
        %get3A_606 = arith.constant 0 : i32
        %get3A_607 = arith.index_cast %get3A_606 : i32 to index
        %get3A_608 = arith.index_cast %add3A_598 : i32 to index
        %get3A_609 = arith.constant 16 : index
        %get3A_610 = tpu.vector_load %arg6[%get3A_607, %get3A_608, %get3A_609] {strides = array<i32>} : memref<4x200x64xf32, #tpu.memory_space<vmem>>, vector<1x1x16xf32>,
        %get3A_611 = vector.shape_cast %get3A_610 : vector<1x1x16xf32> to vector<16xf32>
        %add3A_612 = arith.addf %add3A_580, %get3A_611 : vector<16xf32>
        %get3A_613 = arith.constant 0 : i32
        %get3A_614 = arith.index_cast %get3A_613 : i32 to index
        %get3A_615 = arith.index_cast %add3A_598 : i32 to index
        %get3A_616 = arith.constant 32 : index
        %get3A_617 = tpu.vector_load %arg6[%get3A_614, %get3A_615, %get3A_616] {strides = array<i32>} : memref<4x200x64xf32, #tpu.memory_space<vmem>>, vector<1x1x16xf32>,
        %get3A_618 = vector.shape_cast %get3A_617 : vector<1x1x16xf32> to vector<16xf32>
        %add3A_619 = arith.addf %add3A_587, %get3A_618 : vector<16xf32>
        %get3A_620 = arith.constant 0 : i32
        %get3A_621 = arith.index_cast %get3A_620 : i32 to index
        %get3A_622 = arith.index_cast %add3A_598 : i32 to index
        %get3A_623 = arith.constant 48 : index
        %get3A_624 = tpu.vector_load %arg6[%get3A_621, %get3A_622, %get3A_623] {strides = array<i32>} : memref<4x200x64xf32, #tpu.memory_space<vmem>>, vector<1x1x16xf32>,
        %get3A_625 = vector.shape_cast %get3A_624 : vector<1x1x16xf32> to vector<16xf32>
        %add3A_626 = arith.addf %add3A_594, %get3A_625 : vector<16xf32>
        %mul3A_627 = arith.constant 8 : i32
        %mul3A_628 = arith.muli %scan3A_463, %mul3A_627 : i32
        %add3A_629 = arith.constant 5 : i32
        %add3A_630 = arith.addi %mul3A_628, %add3A_629 : i32
        %get3A_631 = arith.constant 0 : i32
        %get3A_632 = arith.index_cast %get3A_631 : i32 to index
        %get3A_633 = arith.index_cast %add3A_630 : i32 to index
        %get3A_634 = arith.constant 0 : index
        %get3A_635 = tpu.vector_load %arg6[%get3A_632, %get3A_633, %get3A_634] {strides = array<i32>} : memref<4x200x64xf32, #tpu.memory_space<vmem>>, vector<1x1x16xf32>,
        %get3A_636 = vector.shape_cast %get3A_635 : vector<1x1x16xf32> to vector<16xf32>
        %add3A_637 = arith.addf %add3A_605, %get3A_636 : vector<16xf32>
        %get3A_638 = arith.constant 0 : i32
        %get3A_639 = arith.index_cast %get3A_638 : i32 to index
        %get3A_640 = arith.index_cast %add3A_630 : i32 to index
        %get3A_641 = arith.constant 16 : index
        %get3A_642 = tpu.vector_load %arg6[%get3A_639, %get3A_640, %get3A_641] {strides = array<i32>} : memref<4x200x64xf32, #tpu.memory_space<vmem>>, vector<1x1x16xf32>,
        %get3A_643 = vector.shape_cast %get3A_642 : vector<1x1x16xf32> to vector<16xf32>
        %add3A_644 = arith.addf %add3A_612, %get3A_643 : vector<16xf32>
        %get3A_645 = arith.constant 0 : i32
        %get3A_646 = arith.index_cast %get3A_645 : i32 to index
        %get3A_647 = arith.index_cast %add3A_630 : i32 to index
        %get3A_648 = arith.constant 32 : index
        %get3A_649 = tpu.vector_load %arg6[%get3A_646, %get3A_647, %get3A_648] {strides = array<i32>} : memref<4x200x64xf32, #tpu.memory_space<vmem>>, vector<1x1x16xf32>,
        %get3A_650 = vector.shape_cast %get3A_649 : vector<1x1x16xf32> to vector<16xf32>
        %add3A_651 = arith.addf %add3A_619, %get3A_650 : vector<16xf32>
        %get3A_652 = arith.constant 0 : i32
        %get3A_653 = arith.index_cast %get3A_652 : i32 to index
        %get3A_654 = arith.index_cast %add3A_630 : i32 to index
        %get3A_655 = arith.constant 48 : index
        %get3A_656 = tpu.vector_load %arg6[%get3A_653, %get3A_654, %get3A_655] {strides = array<i32>} : memref<4x200x64xf32, #tpu.memory_space<vmem>>, vector<1x1x16xf32>,
        %get3A_657 = vector.shape_cast %get3A_656 : vector<1x1x16xf32> to vector<16xf32>
        %add3A_658 = arith.addf %add3A_626, %get3A_657 : vector<16xf32>
        %mul3A_659 = arith.constant 8 : i32
        %mul3A_660 = arith.muli %scan3A_463, %mul3A_659 : i32
        %add3A_661 = arith.constant 6 : i32
        %add3A_662 = arith.addi %mul3A_660, %add3A_661 : i32
        %get3A_663 = arith.constant 0 : i32
        %get3A_664 = arith.index_cast %get3A_663 : i32 to index
        %get3A_665 = arith.index_cast %add3A_662 : i32 to index
        %get3A_666 = arith.constant 0 : index
        %get3A_667 = tpu.vector_load %arg6[%get3A_664, %get3A_665, %get3A_666] {strides = array<i32>} : memref<4x200x64xf32, #tpu.memory_space<vmem>>, vector<1x1x16xf32>,
        %get3A_668 = vector.shape_cast %get3A_667 : vector<1x1x16xf32> to vector<16xf32>
        %add3A_669 = arith.addf %add3A_637, %get3A_668 : vector<16xf32>
        %get3A_670 = arith.constant 0 : i32
        %get3A_671 = arith.index_cast %get3A_670 : i32 to index
        %get3A_672 = arith.index_cast %add3A_662 : i32 to index
        %get3A_673 = arith.constant 16 : index
        %get3A_674 = tpu.vector_load %arg6[%get3A_671, %get3A_672, %get3A_673] {strides = array<i32>} : memref<4x200x64xf32, #tpu.memory_space<vmem>>, vector<1x1x16xf32>,
        %get3A_675 = vector.shape_cast %get3A_674 : vector<1x1x16xf32> to vector<16xf32>
        %add3A_676 = arith.addf %add3A_644, %get3A_675 : vector<16xf32>
        %get3A_677 = arith.constant 0 : i32
        %get3A_678 = arith.index_cast %get3A_677 : i32 to index
        %get3A_679 = arith.index_cast %add3A_662 : i32 to index
        %get3A_680 = arith.constant 32 : index
        %get3A_681 = tpu.vector_load %arg6[%get3A_678, %get3A_679, %get3A_680] {strides = array<i32>} : memref<4x200x64xf32, #tpu.memory_space<vmem>>, vector<1x1x16xf32>,
        %get3A_682 = vector.shape_cast %get3A_681 : vector<1x1x16xf32> to vector<16xf32>
        %add3A_683 = arith.addf %add3A_651, %get3A_682 : vector<16xf32>
        %get3A_684 = arith.constant 0 : i32
        %get3A_685 = arith.index_cast %get3A_684 : i32 to index
        %get3A_686 = arith.index_cast %add3A_662 : i32 to index
        %get3A_687 = arith.constant 48 : index
        %get3A_688 = tpu.vector_load %arg6[%get3A_685, %get3A_686, %get3A_687] {strides = array<i32>} : memref<4x200x64xf32, #tpu.memory_space<vmem>>, vector<1x1x16xf32>,
        %get3A_689 = vector.shape_cast %get3A_688 : vector<1x1x16xf32> to vector<16xf32>
        %add3A_690 = arith.addf %add3A_658, %get3A_689 : vector<16xf32>
        %mul3A_691 = arith.constant 8 : i32
        %mul3A_692 = arith.muli %scan3A_463, %mul3A_691 : i32
        %add3A_693 = arith.constant 7 : i32
        %add3A_694 = arith.addi %mul3A_692, %add3A_693 : i32
        %get3A_695 = arith.constant 0 : i32
        %get3A_696 = arith.index_cast %get3A_695 : i32 to index
        %get3A_697 = arith.index_cast %add3A_694 : i32 to index
        %get3A_698 = arith.constant 0 : index
        %get3A_699 = tpu.vector_load %arg6[%get3A_696, %get3A_697, %get3A_698] {strides = array<i32>} : memref<4x200x64xf32, #tpu.memory_space<vmem>>, vector<1x1x16xf32>,
        %get3A_700 = vector.shape_cast %get3A_699 : vector<1x1x16xf32> to vector<16xf32>
        %add3A_701 = arith.addf %add3A_669, %get3A_700 : vector<16xf32>
        %get3A_702 = arith.constant 0 : i32
        %get3A_703 = arith.index_cast %get3A_702 : i32 to index
        %get3A_704 = arith.index_cast %add3A_694 : i32 to index
        %get3A_705 = arith.constant 16 : index
        %get3A_706 = tpu.vector_load %arg6[%get3A_703, %get3A_704, %get3A_705] {strides = array<i32>} : memref<4x200x64xf32, #tpu.memory_space<vmem>>, vector<1x1x16xf32>,
        %get3A_707 = vector.shape_cast %get3A_706 : vector<1x1x16xf32> to vector<16xf32>
        %add3A_708 = arith.addf %add3A_676, %get3A_707 : vector<16xf32>
        %get3A_709 = arith.constant 0 : i32
        %get3A_710 = arith.index_cast %get3A_709 : i32 to index
        %get3A_711 = arith.index_cast %add3A_694 : i32 to index
        %get3A_712 = arith.constant 32 : index
        %get3A_713 = tpu.vector_load %arg6[%get3A_710, %get3A_711, %get3A_712] {strides = array<i32>} : memref<4x200x64xf32, #tpu.memory_space<vmem>>, vector<1x1x16xf32>,
        %get3A_714 = vector.shape_cast %get3A_713 : vector<1x1x16xf32> to vector<16xf32>
        %add3A_715 = arith.addf %add3A_683, %get3A_714 : vector<16xf32>
        %get3A_716 = arith.constant 0 : i32
        %get3A_717 = arith.index_cast %get3A_716 : i32 to index
        %get3A_718 = arith.index_cast %add3A_694 : i32 to index
        %get3A_719 = arith.constant 48 : index
        %get3A_720 = tpu.vector_load %arg6[%get3A_717, %get3A_718, %get3A_719] {strides = array<i32>} : memref<4x200x64xf32, #tpu.memory_space<vmem>>, vector<1x1x16xf32>,
        %get3A_721 = vector.shape_cast %get3A_720 : vector<1x1x16xf32> to vector<16xf32>
        %add3A_722 = arith.addf %add3A_690, %get3A_721 : vector<16xf32>
        scf.yield %add3A_701, %add3A_708, %add3A_715, %add3A_722 : vector<16xf32>, vector<16xf32>, vector<16xf32>, vector<16xf32>
      }
      %scan3A_276 = arith.constant 25 : i32
      %swap3A = arith.index_cast %add3A_255 : i32 to index
      %swap3A_277 = arith.constant 0 : index
      %swap3A_278 = tpu.vector_load %arg7[%swap3A, %swap3A_277] {strides = array<i32>} : memref<128x64xf32, #tpu.memory_space<vmem>>, vector<1x16xf32>,
      %swap3A_279 = vector.shape_cast %swap3A_278 : vector<1x16xf32> to vector<16xf32>
      %swap3A_280 = vector.shape_cast %scan3A_275#0 : vector<16xf32> to vector<1x16xf32>
      tpu.vector_store %arg7[%swap3A, %swap3A_277], %swap3A_280 {strides = array<i32>} : memref<128x64xf32, #tpu.memory_space<vmem>>, vector<1x16xf32>,
      %swap3A_281 = arith.index_cast %add3A_255 : i32 to index
      %swap3A_282 = arith.constant 16 : index
      %swap3A_283 = tpu.vector_load %arg7[%swap3A_281, %swap3A_282] {strides = array<i32>} : memref<128x64xf32, #tpu.memory_space<vmem>>, vector<1x16xf32>,
      %swap3A_284 = vector.shape_cast %swap3A_283 : vector<1x16xf32> to vector<16xf32>
      %swap3A_285 = vector.shape_cast %scan3A_275#1 : vector<16xf32> to vector<1x16xf32>
      tpu.vector_store %arg7[%swap3A_281, %swap3A_282], %swap3A_285 {strides = array<i32>} : memref<128x64xf32, #tpu.memory_space<vmem>>, vector<1x16xf32>,
      %swap3A_286 = arith.index_cast %add3A_255 : i32 to index
      %swap3A_287 = arith.constant 32 : index
      %swap3A_288 = tpu.vector_load %arg7[%swap3A_286, %swap3A_287] {strides = array<i32>} : memref<128x64xf32, #tpu.memory_space<vmem>>, vector<1x16xf32>,
      %swap3A_289 = vector.shape_cast %swap3A_288 : vector<1x16xf32> to vector<16xf32>
      %swap3A_290 = vector.shape_cast %scan3A_275#2 : vector<16xf32> to vector<1x16xf32>
      tpu.vector_store %arg7[%swap3A_286, %swap3A_287], %swap3A_290 {strides = array<i32>} : memref<128x64xf32, #tpu.memory_space<vmem>>, vector<1x16xf32>,
      %swap3A_291 = arith.index_cast %add3A_255 : i32 to index
      %swap3A_292 = arith.constant 48 : index
      %swap3A_293 = tpu.vector_load %arg7[%swap3A_291, %swap3A_292] {strides = array<i32>} : memref<128x64xf32, #tpu.memory_space<vmem>>, vector<1x16xf32>,
      %swap3A_294 = vector.shape_cast %swap3A_293 : vector<1x16xf32> to vector<16xf32>
      %swap3A_295 = vector.shape_cast %scan3A_275#3 : vector<16xf32> to vector<1x16xf32>
      tpu.vector_store %arg7[%swap3A_291, %swap3A_292], %swap3A_295 {strides = array<i32>} : memref<128x64xf32, #tpu.memory_space<vmem>>, vector<1x16xf32>,
      %add3A_296 = arith.constant 4 : i32
      %add3A_297 = arith.addi %add3A_255, %add3A_296 : i32
      %lt3A = arith.constant 128 : i32
      %lt3A_298 = arith.cmpi slt, %add3A_297, %lt3A : i32
      %convert_element_type3A = arith.extui %lt3A_298 : i1 to i32
      %cond3A = arith.constant 0 : i32
      %cond3A_299 = arith.cmpi ne, %convert_element_type3A, %cond3A : i32
      scf.if %cond3A_299 {
        %dma_start3A_463 = arith.constant 0 : i32
        %dma_start3A_464 = arith.constant 0 : i32
        %dma_start3A_465 = arith.constant 0 : i32
        %dma_start3A_466 = tpu.memref_slice %arg6[%dma_start3A_463, %dma_start3A_464, %dma_start3A_465] : memref<4x200x64xf32, #tpu.memory_space<vmem>> -> memref<1x40x64xf32, #tpu.memory_space<vmem>>
        %dma_start3A_467 = tpu.memref_squeeze %dma_start3A_466 : memref<1x40x64xf32, #tpu.memory_space<vmem>> -> memref<40x64xf32, #tpu.memory_space<vmem>>
        %dma_start3A_468 = arith.constant 0 : i32
        %dma_start3A_469 = tpu.memref_slice %arg5[%add3A_297, %dma_start3A_468] : memref<128x200xi32, #tpu.memory_space<vmem>> -> memref<1x40xi32, #tpu.memory_space<vmem>>
        %dma_start3A_470 = tpu.memref_squeeze %dma_start3A_469 : memref<1x40xi32, #tpu.memory_space<vmem>> -> memref<40xi32, #tpu.memory_space<vmem>>
        %dma_start3A_471 = arith.constant 0 : i32
        %dma_start3A_472 = arith.constant 0 : i32
        %dma_start3A_473 = tpu.memref_slice %arg2[%dma_start3A_471, %dma_start3A_472] : memref<1000001x64xf32, #tpu.memory_space<hbm>> -> memref<1000001x64xf32, #tpu.memory_space<hbm>>
        tpu.enqueue_indirect_dma source(%dma_start3A_473 : memref<1000001x64xf32, #tpu.memory_space<hbm>>) target(%dma_start3A_467 : memref<40x64xf32, #tpu.memory_space<vmem>>) offsets(%dma_start3A_470 : memref<40xi32, #tpu.memory_space<vmem>>) semaphore(%arg8 : memref<!tpu.dma_semaphore, #tpu.memory_space<semaphore_mem>>)
        %dma_start3A_474 = arith.constant 0 : i32
        %dma_start3A_475 = arith.constant 40 : i32
        %dma_start3A_476 = arith.constant 0 : i32
        %dma_start3A_477 = tpu.memref_slice %arg6[%dma_start3A_474, %dma_start3A_475, %dma_start3A_476] : memref<4x200x64xf32, #tpu.memory_space<vmem>> -> memref<1x40x64xf32, #tpu.memory_space<vmem>>
        %dma_start3A_478 = tpu.memref_squeeze %dma_start3A_477 : memref<1x40x64xf32, #tpu.memory_space<vmem>> -> memref<40x64xf32, #tpu.memory_space<vmem>>
        %dma_start3A_479 = arith.constant 40 : i32
        %dma_start3A_480 = tpu.memref_slice %arg5[%add3A_297, %dma_start3A_479] : memref<128x200xi32, #tpu.memory_space<vmem>> -> memref<1x40xi32, #tpu.memory_space<vmem>>
        %dma_start3A_481 = tpu.memref_squeeze %dma_start3A_480 : memref<1x40xi32, #tpu.memory_space<vmem>> -> memref<40xi32, #tpu.memory_space<vmem>>
        %dma_start3A_482 = arith.constant 0 : i32
        %dma_start3A_483 = arith.constant 0 : i32
        %dma_start3A_484 = tpu.memref_slice %arg2[%dma_start3A_482, %dma_start3A_483] : memref<1000001x64xf32, #tpu.memory_space<hbm>> -> memref<1000001x64xf32, #tpu.memory_space<hbm>>
        tpu.enqueue_indirect_dma source(%dma_start3A_484 : memref<1000001x64xf32, #tpu.memory_space<hbm>>) target(%dma_start3A_478 : memref<40x64xf32, #tpu.memory_space<vmem>>) offsets(%dma_start3A_481 : memref<40xi32, #tpu.memory_space<vmem>>) semaphore(%arg8 : memref<!tpu.dma_semaphore, #tpu.memory_space<semaphore_mem>>)
        %dma_start3A_485 = arith.constant 0 : i32
        %dma_start3A_486 = arith.constant 80 : i32
        %dma_start3A_487 = arith.constant 0 : i32
        %dma_start3A_488 = tpu.memref_slice %arg6[%dma_start3A_485, %dma_start3A_486, %dma_start3A_487] : memref<4x200x64xf32, #tpu.memory_space<vmem>> -> memref<1x40x64xf32, #tpu.memory_space<vmem>>
        %dma_start3A_489 = tpu.memref_squeeze %dma_start3A_488 : memref<1x40x64xf32, #tpu.memory_space<vmem>> -> memref<40x64xf32, #tpu.memory_space<vmem>>
        %dma_start3A_490 = arith.constant 80 : i32
        %dma_start3A_491 = tpu.memref_slice %arg5[%add3A_297, %dma_start3A_490] : memref<128x200xi32, #tpu.memory_space<vmem>> -> memref<1x40xi32, #tpu.memory_space<vmem>>
        %dma_start3A_492 = tpu.memref_squeeze %dma_start3A_491 : memref<1x40xi32, #tpu.memory_space<vmem>> -> memref<40xi32, #tpu.memory_space<vmem>>
        %dma_start3A_493 = arith.constant 0 : i32
        %dma_start3A_494 = arith.constant 0 : i32
        %dma_start3A_495 = tpu.memref_slice %arg2[%dma_start3A_493, %dma_start3A_494] : memref<1000001x64xf32, #tpu.memory_space<hbm>> -> memref<1000001x64xf32, #tpu.memory_space<hbm>>
        tpu.enqueue_indirect_dma source(%dma_start3A_495 : memref<1000001x64xf32, #tpu.memory_space<hbm>>) target(%dma_start3A_489 : memref<40x64xf32, #tpu.memory_space<vmem>>) offsets(%dma_start3A_492 : memref<40xi32, #tpu.memory_space<vmem>>) semaphore(%arg8 : memref<!tpu.dma_semaphore, #tpu.memory_space<semaphore_mem>>)
        %dma_start3A_496 = arith.constant 0 : i32
        %dma_start3A_497 = arith.constant 120 : i32
        %dma_start3A_498 = arith.constant 0 : i32
        %dma_start3A_499 = tpu.memref_slice %arg6[%dma_start3A_496, %dma_start3A_497, %dma_start3A_498] : memref<4x200x64xf32, #tpu.memory_space<vmem>> -> memref<1x40x64xf32, #tpu.memory_space<vmem>>
        %dma_start3A_500 = tpu.memref_squeeze %dma_start3A_499 : memref<1x40x64xf32, #tpu.memory_space<vmem>> -> memref<40x64xf32, #tpu.memory_space<vmem>>
        %dma_start3A_501 = arith.constant 120 : i32
        %dma_start3A_502 = tpu.memref_slice %arg5[%add3A_297, %dma_start3A_501] : memref<128x200xi32, #tpu.memory_space<vmem>> -> memref<1x40xi32, #tpu.memory_space<vmem>>
        %dma_start3A_503 = tpu.memref_squeeze %dma_start3A_502 : memref<1x40xi32, #tpu.memory_space<vmem>> -> memref<40xi32, #tpu.memory_space<vmem>>
        %dma_start3A_504 = arith.constant 0 : i32
        %dma_start3A_505 = arith.constant 0 : i32
        %dma_start3A_506 = tpu.memref_slice %arg2[%dma_start3A_504, %dma_start3A_505] : memref<1000001x64xf32, #tpu.memory_space<hbm>> -> memref<1000001x64xf32, #tpu.memory_space<hbm>>
        tpu.enqueue_indirect_dma source(%dma_start3A_506 : memref<1000001x64xf32, #tpu.memory_space<hbm>>) target(%dma_start3A_500 : memref<40x64xf32, #tpu.memory_space<vmem>>) offsets(%dma_start3A_503 : memref<40xi32, #tpu.memory_space<vmem>>) semaphore(%arg8 : memref<!tpu.dma_semaphore, #tpu.memory_space<semaphore_mem>>)
        %dma_start3A_507 = arith.constant 0 : i32
        %dma_start3A_508 = arith.constant 160 : i32
        %dma_start3A_509 = arith.constant 0 : i32
        %dma_start3A_510 = tpu.memref_slice %arg6[%dma_start3A_507, %dma_start3A_508, %dma_start3A_509] : memref<4x200x64xf32, #tpu.memory_space<vmem>> -> memref<1x40x64xf32, #tpu.memory_space<vmem>>
        %dma_start3A_511 = tpu.memref_squeeze %dma_start3A_510 : memref<1x40x64xf32, #tpu.memory_space<vmem>> -> memref<40x64xf32, #tpu.memory_space<vmem>>
        %dma_start3A_512 = arith.constant 160 : i32
        %dma_start3A_513 = tpu.memref_slice %arg5[%add3A_297, %dma_start3A_512] : memref<128x200xi32, #tpu.memory_space<vmem>> -> memref<1x40xi32, #tpu.memory_space<vmem>>
        %dma_start3A_514 = tpu.memref_squeeze %dma_start3A_513 : memref<1x40xi32, #tpu.memory_space<vmem>> -> memref<40xi32, #tpu.memory_space<vmem>>
        %dma_start3A_515 = arith.constant 0 : i32
        %dma_start3A_516 = arith.constant 0 : i32
        %dma_start3A_517 = tpu.memref_slice %arg2[%dma_start3A_515, %dma_start3A_516] : memref<1000001x64xf32, #tpu.memory_space<hbm>> -> memref<1000001x64xf32, #tpu.memory_space<hbm>>
        tpu.enqueue_indirect_dma source(%dma_start3A_517 : memref<1000001x64xf32, #tpu.memory_space<hbm>>) target(%dma_start3A_511 : memref<40x64xf32, #tpu.memory_space<vmem>>) offsets(%dma_start3A_514 : memref<40xi32, #tpu.memory_space<vmem>>) semaphore(%arg8 : memref<!tpu.dma_semaphore, #tpu.memory_space<semaphore_mem>>)
      } else {
      }
      %mul3A_300 = arith.constant 4 : i32
      %mul3A_301 = arith.muli %scan3A_250, %mul3A_300 : i32
      %add3A_302 = arith.constant 1 : i32
      %add3A_303 = arith.addi %mul3A_301, %add3A_302 : i32
      %dma_wait3A_304 = arith.constant 1 : i32
      %dma_wait3A_305 = arith.constant 0 : i32
      %dma_wait3A_306 = arith.constant 0 : i32
      %dma_wait3A_307 = tpu.memref_slice %arg6[%dma_wait3A_304, %dma_wait3A_305, %dma_wait3A_306] : memref<4x200x64xf32, #tpu.memory_space<vmem>> -> memref<1x200x64xf32, #tpu.memory_space<vmem>>
      %dma_wait3A_308 = tpu.memref_squeeze %dma_wait3A_307 : memref<1x200x64xf32, #tpu.memory_space<vmem>> -> memref<200x64xf32, #tpu.memory_space<vmem>>
      %dma_wait3A_309 = arith.constant 0 : i32
      %dma_wait3A_310 = arith.constant 0 : i32
      %dma_wait3A_311 = tpu.memref_slice %arg2[%dma_wait3A_309, %dma_wait3A_310] : memref<1000001x64xf32, #tpu.memory_space<hbm>> -> memref<200x64xf32, #tpu.memory_space<hbm>>
      %dma_wait3A_312 = arith.constant 0 : i32
      %dma_wait3A_313 = arith.constant 0 : i32
      %dma_wait3A_314 = tpu.memref_slice %arg6[%dma_wait3A_304, %dma_wait3A_312, %dma_wait3A_313] : memref<4x200x64xf32, #tpu.memory_space<vmem>> -> memref<1x200x64xf32, #tpu.memory_space<vmem>>
      %dma_wait3A_315 = tpu.memref_squeeze %dma_wait3A_314 : memref<1x200x64xf32, #tpu.memory_space<vmem>> -> memref<200x64xf32, #tpu.memory_space<vmem>>
      %dma_wait3A_316 = arith.constant 0 : i32
      %dma_wait3A_317 = arith.constant 0 : i32
      %dma_wait3A_318 = tpu.memref_slice %arg2[%dma_wait3A_316, %dma_wait3A_317] : memref<1000001x64xf32, #tpu.memory_space<hbm>> -> memref<200x64xf32, #tpu.memory_space<hbm>>
      tpu.wait_dma2 semaphore(%arg9 : memref<!tpu.dma_semaphore, #tpu.memory_space<semaphore_mem>>) src(%dma_wait3A_318 : memref<200x64xf32, #tpu.memory_space<hbm>>) dst(%dma_wait3A_315 : memref<200x64xf32, #tpu.memory_space<vmem>>)
      %broadcast_in_dim3A_319 = arith.constant 0.000000e+00 : f32
      %broadcast_in_dim3A_320 = vector.broadcast %broadcast_in_dim3A_319 : f32 to vector<16xf32>
      %scan3A_321 = arith.constant 0 : i32
      %scan3A_322 = arith.constant 25 : i32
      %scan3A_323 = arith.addi %scan3A_321, %scan3A_322 : i32
      %scan3A_324 = arith.constant 1 : i32
      %scan3A_325:4 = scf.for %scan3A_463 = %scan3A_321 to %scan3A_323 step %scan3A_324 iter_args(%scan3A_464 = %broadcast_in_dim3A_320, %scan3A_465 = %broadcast_in_dim3A_320, %scan3A_466 = %broadcast_in_dim3A_320, %scan3A_467 = %broadcast_in_dim3A_320) -> (vector<16xf32>, vector<16xf32>, vector<16xf32>, vector<16xf32>)  : i32 {
        %mul3A_468 = arith.constant 8 : i32
        %mul3A_469 = arith.muli %scan3A_463, %mul3A_468 : i32
        %add3A_470 = arith.constant 0 : i32
        %add3A_471 = arith.addi %mul3A_469, %add3A_470 : i32
        %get3A = arith.constant 1 : i32
        %get3A_472 = arith.index_cast %get3A : i32 to index
        %get3A_473 = arith.index_cast %add3A_471 : i32 to index
        %get3A_474 = arith.constant 0 : index
        %get3A_475 = tpu.vector_load %arg6[%get3A_472, %get3A_473, %get3A_474] {strides = array<i32>} : memref<4x200x64xf32, #tpu.memory_space<vmem>>, vector<1x1x16xf32>,
        %get3A_476 = vector.shape_cast %get3A_475 : vector<1x1x16xf32> to vector<16xf32>
        %add3A_477 = arith.addf %scan3A_464, %get3A_476 : vector<16xf32>
        %get3A_478 = arith.constant 1 : i32
        %get3A_479 = arith.index_cast %get3A_478 : i32 to index
        %get3A_480 = arith.index_cast %add3A_471 : i32 to index
        %get3A_481 = arith.constant 16 : index
        %get3A_482 = tpu.vector_load %arg6[%get3A_479, %get3A_480, %get3A_481] {strides = array<i32>} : memref<4x200x64xf32, #tpu.memory_space<vmem>>, vector<1x1x16xf32>,
        %get3A_483 = vector.shape_cast %get3A_482 : vector<1x1x16xf32> to vector<16xf32>
        %add3A_484 = arith.addf %scan3A_465, %get3A_483 : vector<16xf32>
        %get3A_485 = arith.constant 1 : i32
        %get3A_486 = arith.index_cast %get3A_485 : i32 to index
        %get3A_487 = arith.index_cast %add3A_471 : i32 to index
        %get3A_488 = arith.constant 32 : index
        %get3A_489 = tpu.vector_load %arg6[%get3A_486, %get3A_487, %get3A_488] {strides = array<i32>} : memref<4x200x64xf32, #tpu.memory_space<vmem>>, vector<1x1x16xf32>,
        %get3A_490 = vector.shape_cast %get3A_489 : vector<1x1x16xf32> to vector<16xf32>
        %add3A_491 = arith.addf %scan3A_466, %get3A_490 : vector<16xf32>
        %get3A_492 = arith.constant 1 : i32
        %get3A_493 = arith.index_cast %get3A_492 : i32 to index
        %get3A_494 = arith.index_cast %add3A_471 : i32 to index
        %get3A_495 = arith.constant 48 : index
        %get3A_496 = tpu.vector_load %arg6[%get3A_493, %get3A_494, %get3A_495] {strides = array<i32>} : memref<4x200x64xf32, #tpu.memory_space<vmem>>, vector<1x1x16xf32>,
        %get3A_497 = vector.shape_cast %get3A_496 : vector<1x1x16xf32> to vector<16xf32>
        %add3A_498 = arith.addf %scan3A_467, %get3A_497 : vector<16xf32>
        %mul3A_499 = arith.constant 8 : i32
        %mul3A_500 = arith.muli %scan3A_463, %mul3A_499 : i32
        %add3A_501 = arith.constant 1 : i32
        %add3A_502 = arith.addi %mul3A_500, %add3A_501 : i32
        %get3A_503 = arith.constant 1 : i32
        %get3A_504 = arith.index_cast %get3A_503 : i32 to index
        %get3A_505 = arith.index_cast %add3A_502 : i32 to index
        %get3A_506 = arith.constant 0 : index
        %get3A_507 = tpu.vector_load %arg6[%get3A_504, %get3A_505, %get3A_506] {strides = array<i32>} : memref<4x200x64xf32, #tpu.memory_space<vmem>>, vector<1x1x16xf32>,
        %get3A_508 = vector.shape_cast %get3A_507 : vector<1x1x16xf32> to vector<16xf32>
        %add3A_509 = arith.addf %add3A_477, %get3A_508 : vector<16xf32>
        %get3A_510 = arith.constant 1 : i32
        %get3A_511 = arith.index_cast %get3A_510 : i32 to index
        %get3A_512 = arith.index_cast %add3A_502 : i32 to index
        %get3A_513 = arith.constant 16 : index
        %get3A_514 = tpu.vector_load %arg6[%get3A_511, %get3A_512, %get3A_513] {strides = array<i32>} : memref<4x200x64xf32, #tpu.memory_space<vmem>>, vector<1x1x16xf32>,
        %get3A_515 = vector.shape_cast %get3A_514 : vector<1x1x16xf32> to vector<16xf32>
        %add3A_516 = arith.addf %add3A_484, %get3A_515 : vector<16xf32>
        %get3A_517 = arith.constant 1 : i32
        %get3A_518 = arith.index_cast %get3A_517 : i32 to index
        %get3A_519 = arith.index_cast %add3A_502 : i32 to index
        %get3A_520 = arith.constant 32 : index
        %get3A_521 = tpu.vector_load %arg6[%get3A_518, %get3A_519, %get3A_520] {strides = array<i32>} : memref<4x200x64xf32, #tpu.memory_space<vmem>>, vector<1x1x16xf32>,
        %get3A_522 = vector.shape_cast %get3A_521 : vector<1x1x16xf32> to vector<16xf32>
        %add3A_523 = arith.addf %add3A_491, %get3A_522 : vector<16xf32>
        %get3A_524 = arith.constant 1 : i32
        %get3A_525 = arith.index_cast %get3A_524 : i32 to index
        %get3A_526 = arith.index_cast %add3A_502 : i32 to index
        %get3A_527 = arith.constant 48 : index
        %get3A_528 = tpu.vector_load %arg6[%get3A_525, %get3A_526, %get3A_527] {strides = array<i32>} : memref<4x200x64xf32, #tpu.memory_space<vmem>>, vector<1x1x16xf32>,
        %get3A_529 = vector.shape_cast %get3A_528 : vector<1x1x16xf32> to vector<16xf32>
        %add3A_530 = arith.addf %add3A_498, %get3A_529 : vector<16xf32>
        %mul3A_531 = arith.constant 8 : i32
        %mul3A_532 = arith.muli %scan3A_463, %mul3A_531 : i32
        %add3A_533 = arith.constant 2 : i32
        %add3A_534 = arith.addi %mul3A_532, %add3A_533 : i32
        %get3A_535 = arith.constant 1 : i32
        %get3A_536 = arith.index_cast %get3A_535 : i32 to index
        %get3A_537 = arith.index_cast %add3A_534 : i32 to index
        %get3A_538 = arith.constant 0 : index
        %get3A_539 = tpu.vector_load %arg6[%get3A_536, %get3A_537, %get3A_538] {strides = array<i32>} : memref<4x200x64xf32, #tpu.memory_space<vmem>>, vector<1x1x16xf32>,
        %get3A_540 = vector.shape_cast %get3A_539 : vector<1x1x16xf32> to vector<16xf32>
        %add3A_541 = arith.addf %add3A_509, %get3A_540 : vector<16xf32>
        %get3A_542 = arith.constant 1 : i32
        %get3A_543 = arith.index_cast %get3A_542 : i32 to index
        %get3A_544 = arith.index_cast %add3A_534 : i32 to index
        %get3A_545 = arith.constant 16 : index
        %get3A_546 = tpu.vector_load %arg6[%get3A_543, %get3A_544, %get3A_545] {strides = array<i32>} : memref<4x200x64xf32, #tpu.memory_space<vmem>>, vector<1x1x16xf32>,
        %get3A_547 = vector.shape_cast %get3A_546 : vector<1x1x16xf32> to vector<16xf32>
        %add3A_548 = arith.addf %add3A_516, %get3A_547 : vector<16xf32>
        %get3A_549 = arith.constant 1 : i32
        %get3A_550 = arith.index_cast %get3A_549 : i32 to index
        %get3A_551 = arith.index_cast %add3A_534 : i32 to index
        %get3A_552 = arith.constant 32 : index
        %get3A_553 = tpu.vector_load %arg6[%get3A_550, %get3A_551, %get3A_552] {strides = array<i32>} : memref<4x200x64xf32, #tpu.memory_space<vmem>>, vector<1x1x16xf32>,
        %get3A_554 = vector.shape_cast %get3A_553 : vector<1x1x16xf32> to vector<16xf32>
        %add3A_555 = arith.addf %add3A_523, %get3A_554 : vector<16xf32>
        %get3A_556 = arith.constant 1 : i32
        %get3A_557 = arith.index_cast %get3A_556 : i32 to index
        %get3A_558 = arith.index_cast %add3A_534 : i32 to index
        %get3A_559 = arith.constant 48 : index
        %get3A_560 = tpu.vector_load %arg6[%get3A_557, %get3A_558, %get3A_559] {strides = array<i32>} : memref<4x200x64xf32, #tpu.memory_space<vmem>>, vector<1x1x16xf32>,
        %get3A_561 = vector.shape_cast %get3A_560 : vector<1x1x16xf32> to vector<16xf32>
        %add3A_562 = arith.addf %add3A_530, %get3A_561 : vector<16xf32>
        %mul3A_563 = arith.constant 8 : i32
        %mul3A_564 = arith.muli %scan3A_463, %mul3A_563 : i32
        %add3A_565 = arith.constant 3 : i32
        %add3A_566 = arith.addi %mul3A_564, %add3A_565 : i32
        %get3A_567 = arith.constant 1 : i32
        %get3A_568 = arith.index_cast %get3A_567 : i32 to index
        %get3A_569 = arith.index_cast %add3A_566 : i32 to index
        %get3A_570 = arith.constant 0 : index
        %get3A_571 = tpu.vector_load %arg6[%get3A_568, %get3A_569, %get3A_570] {strides = array<i32>} : memref<4x200x64xf32, #tpu.memory_space<vmem>>, vector<1x1x16xf32>,
        %get3A_572 = vector.shape_cast %get3A_571 : vector<1x1x16xf32> to vector<16xf32>
        %add3A_573 = arith.addf %add3A_541, %get3A_572 : vector<16xf32>
        %get3A_574 = arith.constant 1 : i32
        %get3A_575 = arith.index_cast %get3A_574 : i32 to index
        %get3A_576 = arith.index_cast %add3A_566 : i32 to index
        %get3A_577 = arith.constant 16 : index
        %get3A_578 = tpu.vector_load %arg6[%get3A_575, %get3A_576, %get3A_577] {strides = array<i32>} : memref<4x200x64xf32, #tpu.memory_space<vmem>>, vector<1x1x16xf32>,
        %get3A_579 = vector.shape_cast %get3A_578 : vector<1x1x16xf32> to vector<16xf32>
        %add3A_580 = arith.addf %add3A_548, %get3A_579 : vector<16xf32>
        %get3A_581 = arith.constant 1 : i32
        %get3A_582 = arith.index_cast %get3A_581 : i32 to index
        %get3A_583 = arith.index_cast %add3A_566 : i32 to index
        %get3A_584 = arith.constant 32 : index
        %get3A_585 = tpu.vector_load %arg6[%get3A_582, %get3A_583, %get3A_584] {strides = array<i32>} : memref<4x200x64xf32, #tpu.memory_space<vmem>>, vector<1x1x16xf32>,
        %get3A_586 = vector.shape_cast %get3A_585 : vector<1x1x16xf32> to vector<16xf32>
        %add3A_587 = arith.addf %add3A_555, %get3A_586 : vector<16xf32>
        %get3A_588 = arith.constant 1 : i32
        %get3A_589 = arith.index_cast %get3A_588 : i32 to index
        %get3A_590 = arith.index_cast %add3A_566 : i32 to index
        %get3A_591 = arith.constant 48 : index
        %get3A_592 = tpu.vector_load %arg6[%get3A_589, %get3A_590, %get3A_591] {strides = array<i32>} : memref<4x200x64xf32, #tpu.memory_space<vmem>>, vector<1x1x16xf32>,
        %get3A_593 = vector.shape_cast %get3A_592 : vector<1x1x16xf32> to vector<16xf32>
        %add3A_594 = arith.addf %add3A_562, %get3A_593 : vector<16xf32>
        %mul3A_595 = arith.constant 8 : i32
        %mul3A_596 = arith.muli %scan3A_463, %mul3A_595 : i32
        %add3A_597 = arith.constant 4 : i32
        %add3A_598 = arith.addi %mul3A_596, %add3A_597 : i32
        %get3A_599 = arith.constant 1 : i32
        %get3A_600 = arith.index_cast %get3A_599 : i32 to index
        %get3A_601 = arith.index_cast %add3A_598 : i32 to index
        %get3A_602 = arith.constant 0 : index
        %get3A_603 = tpu.vector_load %arg6[%get3A_600, %get3A_601, %get3A_602] {strides = array<i32>} : memref<4x200x64xf32, #tpu.memory_space<vmem>>, vector<1x1x16xf32>,
        %get3A_604 = vector.shape_cast %get3A_603 : vector<1x1x16xf32> to vector<16xf32>
        %add3A_605 = arith.addf %add3A_573, %get3A_604 : vector<16xf32>
        %get3A_606 = arith.constant 1 : i32
        %get3A_607 = arith.index_cast %get3A_606 : i32 to index
        %get3A_608 = arith.index_cast %add3A_598 : i32 to index
        %get3A_609 = arith.constant 16 : index
        %get3A_610 = tpu.vector_load %arg6[%get3A_607, %get3A_608, %get3A_609] {strides = array<i32>} : memref<4x200x64xf32, #tpu.memory_space<vmem>>, vector<1x1x16xf32>,
        %get3A_611 = vector.shape_cast %get3A_610 : vector<1x1x16xf32> to vector<16xf32>
        %add3A_612 = arith.addf %add3A_580, %get3A_611 : vector<16xf32>
        %get3A_613 = arith.constant 1 : i32
        %get3A_614 = arith.index_cast %get3A_613 : i32 to index
        %get3A_615 = arith.index_cast %add3A_598 : i32 to index
        %get3A_616 = arith.constant 32 : index
        %get3A_617 = tpu.vector_load %arg6[%get3A_614, %get3A_615, %get3A_616] {strides = array<i32>} : memref<4x200x64xf32, #tpu.memory_space<vmem>>, vector<1x1x16xf32>,
        %get3A_618 = vector.shape_cast %get3A_617 : vector<1x1x16xf32> to vector<16xf32>
        %add3A_619 = arith.addf %add3A_587, %get3A_618 : vector<16xf32>
        %get3A_620 = arith.constant 1 : i32
        %get3A_621 = arith.index_cast %get3A_620 : i32 to index
        %get3A_622 = arith.index_cast %add3A_598 : i32 to index
        %get3A_623 = arith.constant 48 : index
        %get3A_624 = tpu.vector_load %arg6[%get3A_621, %get3A_622, %get3A_623] {strides = array<i32>} : memref<4x200x64xf32, #tpu.memory_space<vmem>>, vector<1x1x16xf32>,
        %get3A_625 = vector.shape_cast %get3A_624 : vector<1x1x16xf32> to vector<16xf32>
        %add3A_626 = arith.addf %add3A_594, %get3A_625 : vector<16xf32>
        %mul3A_627 = arith.constant 8 : i32
        %mul3A_628 = arith.muli %scan3A_463, %mul3A_627 : i32
        %add3A_629 = arith.constant 5 : i32
        %add3A_630 = arith.addi %mul3A_628, %add3A_629 : i32
        %get3A_631 = arith.constant 1 : i32
        %get3A_632 = arith.index_cast %get3A_631 : i32 to index
        %get3A_633 = arith.index_cast %add3A_630 : i32 to index
        %get3A_634 = arith.constant 0 : index
        %get3A_635 = tpu.vector_load %arg6[%get3A_632, %get3A_633, %get3A_634] {strides = array<i32>} : memref<4x200x64xf32, #tpu.memory_space<vmem>>, vector<1x1x16xf32>,
        %get3A_636 = vector.shape_cast %get3A_635 : vector<1x1x16xf32> to vector<16xf32>
        %add3A_637 = arith.addf %add3A_605, %get3A_636 : vector<16xf32>
        %get3A_638 = arith.constant 1 : i32
        %get3A_639 = arith.index_cast %get3A_638 : i32 to index
        %get3A_640 = arith.index_cast %add3A_630 : i32 to index
        %get3A_641 = arith.constant 16 : index
        %get3A_642 = tpu.vector_load %arg6[%get3A_639, %get3A_640, %get3A_641] {strides = array<i32>} : memref<4x200x64xf32, #tpu.memory_space<vmem>>, vector<1x1x16xf32>,
        %get3A_643 = vector.shape_cast %get3A_642 : vector<1x1x16xf32> to vector<16xf32>
        %add3A_644 = arith.addf %add3A_612, %get3A_643 : vector<16xf32>
        %get3A_645 = arith.constant 1 : i32
        %get3A_646 = arith.index_cast %get3A_645 : i32 to index
        %get3A_647 = arith.index_cast %add3A_630 : i32 to index
        %get3A_648 = arith.constant 32 : index
        %get3A_649 = tpu.vector_load %arg6[%get3A_646, %get3A_647, %get3A_648] {strides = array<i32>} : memref<4x200x64xf32, #tpu.memory_space<vmem>>, vector<1x1x16xf32>,
        %get3A_650 = vector.shape_cast %get3A_649 : vector<1x1x16xf32> to vector<16xf32>
        %add3A_651 = arith.addf %add3A_619, %get3A_650 : vector<16xf32>
        %get3A_652 = arith.constant 1 : i32
        %get3A_653 = arith.index_cast %get3A_652 : i32 to index
        %get3A_654 = arith.index_cast %add3A_630 : i32 to index
        %get3A_655 = arith.constant 48 : index
        %get3A_656 = tpu.vector_load %arg6[%get3A_653, %get3A_654, %get3A_655] {strides = array<i32>} : memref<4x200x64xf32, #tpu.memory_space<vmem>>, vector<1x1x16xf32>,
        %get3A_657 = vector.shape_cast %get3A_656 : vector<1x1x16xf32> to vector<16xf32>
        %add3A_658 = arith.addf %add3A_626, %get3A_657 : vector<16xf32>
        %mul3A_659 = arith.constant 8 : i32
        %mul3A_660 = arith.muli %scan3A_463, %mul3A_659 : i32
        %add3A_661 = arith.constant 6 : i32
        %add3A_662 = arith.addi %mul3A_660, %add3A_661 : i32
        %get3A_663 = arith.constant 1 : i32
        %get3A_664 = arith.index_cast %get3A_663 : i32 to index
        %get3A_665 = arith.index_cast %add3A_662 : i32 to index
        %get3A_666 = arith.constant 0 : index
        %get3A_667 = tpu.vector_load %arg6[%get3A_664, %get3A_665, %get3A_666] {strides = array<i32>} : memref<4x200x64xf32, #tpu.memory_space<vmem>>, vector<1x1x16xf32>,
        %get3A_668 = vector.shape_cast %get3A_667 : vector<1x1x16xf32> to vector<16xf32>
        %add3A_669 = arith.addf %add3A_637, %get3A_668 : vector<16xf32>
        %get3A_670 = arith.constant 1 : i32
        %get3A_671 = arith.index_cast %get3A_670 : i32 to index
        %get3A_672 = arith.index_cast %add3A_662 : i32 to index
        %get3A_673 = arith.constant 16 : index
        %get3A_674 = tpu.vector_load %arg6[%get3A_671, %get3A_672, %get3A_673] {strides = array<i32>} : memref<4x200x64xf32, #tpu.memory_space<vmem>>, vector<1x1x16xf32>,
        %get3A_675 = vector.shape_cast %get3A_674 : vector<1x1x16xf32> to vector<16xf32>
        %add3A_676 = arith.addf %add3A_644, %get3A_675 : vector<16xf32>
        %get3A_677 = arith.constant 1 : i32
        %get3A_678 = arith.index_cast %get3A_677 : i32 to index
        %get3A_679 = arith.index_cast %add3A_662 : i32 to index
        %get3A_680 = arith.constant 32 : index
        %get3A_681 = tpu.vector_load %arg6[%get3A_678, %get3A_679, %get3A_680] {strides = array<i32>} : memref<4x200x64xf32, #tpu.memory_space<vmem>>, vector<1x1x16xf32>,
        %get3A_682 = vector.shape_cast %get3A_681 : vector<1x1x16xf32> to vector<16xf32>
        %add3A_683 = arith.addf %add3A_651, %get3A_682 : vector<16xf32>
        %get3A_684 = arith.constant 1 : i32
        %get3A_685 = arith.index_cast %get3A_684 : i32 to index
        %get3A_686 = arith.index_cast %add3A_662 : i32 to index
        %get3A_687 = arith.constant 48 : index
        %get3A_688 = tpu.vector_load %arg6[%get3A_685, %get3A_686, %get3A_687] {strides = array<i32>} : memref<4x200x64xf32, #tpu.memory_space<vmem>>, vector<1x1x16xf32>,
        %get3A_689 = vector.shape_cast %get3A_688 : vector<1x1x16xf32> to vector<16xf32>
        %add3A_690 = arith.addf %add3A_658, %get3A_689 : vector<16xf32>
        %mul3A_691 = arith.constant 8 : i32
        %mul3A_692 = arith.muli %scan3A_463, %mul3A_691 : i32
        %add3A_693 = arith.constant 7 : i32
        %add3A_694 = arith.addi %mul3A_692, %add3A_693 : i32
        %get3A_695 = arith.constant 1 : i32
        %get3A_696 = arith.index_cast %get3A_695 : i32 to index
        %get3A_697 = arith.index_cast %add3A_694 : i32 to index
        %get3A_698 = arith.constant 0 : index
        %get3A_699 = tpu.vector_load %arg6[%get3A_696, %get3A_697, %get3A_698] {strides = array<i32>} : memref<4x200x64xf32, #tpu.memory_space<vmem>>, vector<1x1x16xf32>,
        %get3A_700 = vector.shape_cast %get3A_699 : vector<1x1x16xf32> to vector<16xf32>
        %add3A_701 = arith.addf %add3A_669, %get3A_700 : vector<16xf32>
        %get3A_702 = arith.constant 1 : i32
        %get3A_703 = arith.index_cast %get3A_702 : i32 to index
        %get3A_704 = arith.index_cast %add3A_694 : i32 to index
        %get3A_705 = arith.constant 16 : index
        %get3A_706 = tpu.vector_load %arg6[%get3A_703, %get3A_704, %get3A_705] {strides = array<i32>} : memref<4x200x64xf32, #tpu.memory_space<vmem>>, vector<1x1x16xf32>,
        %get3A_707 = vector.shape_cast %get3A_706 : vector<1x1x16xf32> to vector<16xf32>
        %add3A_708 = arith.addf %add3A_676, %get3A_707 : vector<16xf32>
        %get3A_709 = arith.constant 1 : i32
        %get3A_710 = arith.index_cast %get3A_709 : i32 to index
        %get3A_711 = arith.index_cast %add3A_694 : i32 to index
        %get3A_712 = arith.constant 32 : index
        %get3A_713 = tpu.vector_load %arg6[%get3A_710, %get3A_711, %get3A_712] {strides = array<i32>} : memref<4x200x64xf32, #tpu.memory_space<vmem>>, vector<1x1x16xf32>,
        %get3A_714 = vector.shape_cast %get3A_713 : vector<1x1x16xf32> to vector<16xf32>
        %add3A_715 = arith.addf %add3A_683, %get3A_714 : vector<16xf32>
        %get3A_716 = arith.constant 1 : i32
        %get3A_717 = arith.index_cast %get3A_716 : i32 to index
        %get3A_718 = arith.index_cast %add3A_694 : i32 to index
        %get3A_719 = arith.constant 48 : index
        %get3A_720 = tpu.vector_load %arg6[%get3A_717, %get3A_718, %get3A_719] {strides = array<i32>} : memref<4x200x64xf32, #tpu.memory_space<vmem>>, vector<1x1x16xf32>,
        %get3A_721 = vector.shape_cast %get3A_720 : vector<1x1x16xf32> to vector<16xf32>
        %add3A_722 = arith.addf %add3A_690, %get3A_721 : vector<16xf32>
        scf.yield %add3A_701, %add3A_708, %add3A_715, %add3A_722 : vector<16xf32>, vector<16xf32>, vector<16xf32>, vector<16xf32>
      }
      %scan3A_326 = arith.constant 25 : i32
      %swap3A_327 = arith.index_cast %add3A_303 : i32 to index
      %swap3A_328 = arith.constant 0 : index
      %swap3A_329 = tpu.vector_load %arg7[%swap3A_327, %swap3A_328] {strides = array<i32>} : memref<128x64xf32, #tpu.memory_space<vmem>>, vector<1x16xf32>,
      %swap3A_330 = vector.shape_cast %swap3A_329 : vector<1x16xf32> to vector<16xf32>
      %swap3A_331 = vector.shape_cast %scan3A_325#0 : vector<16xf32> to vector<1x16xf32>
      tpu.vector_store %arg7[%swap3A_327, %swap3A_328], %swap3A_331 {strides = array<i32>} : memref<128x64xf32, #tpu.memory_space<vmem>>, vector<1x16xf32>,
      %swap3A_332 = arith.index_cast %add3A_303 : i32 to index
      %swap3A_333 = arith.constant 16 : index
      %swap3A_334 = tpu.vector_load %arg7[%swap3A_332, %swap3A_333] {strides = array<i32>} : memref<128x64xf32, #tpu.memory_space<vmem>>, vector<1x16xf32>,
      %swap3A_335 = vector.shape_cast %swap3A_334 : vector<1x16xf32> to vector<16xf32>
      %swap3A_336 = vector.shape_cast %scan3A_325#1 : vector<16xf32> to vector<1x16xf32>
      tpu.vector_store %arg7[%swap3A_332, %swap3A_333], %swap3A_336 {strides = array<i32>} : memref<128x64xf32, #tpu.memory_space<vmem>>, vector<1x16xf32>,
      %swap3A_337 = arith.index_cast %add3A_303 : i32 to index
      %swap3A_338 = arith.constant 32 : index
      %swap3A_339 = tpu.vector_load %arg7[%swap3A_337, %swap3A_338] {strides = array<i32>} : memref<128x64xf32, #tpu.memory_space<vmem>>, vector<1x16xf32>,
      %swap3A_340 = vector.shape_cast %swap3A_339 : vector<1x16xf32> to vector<16xf32>
      %swap3A_341 = vector.shape_cast %scan3A_325#2 : vector<16xf32> to vector<1x16xf32>
      tpu.vector_store %arg7[%swap3A_337, %swap3A_338], %swap3A_341 {strides = array<i32>} : memref<128x64xf32, #tpu.memory_space<vmem>>, vector<1x16xf32>,
      %swap3A_342 = arith.index_cast %add3A_303 : i32 to index
      %swap3A_343 = arith.constant 48 : index
      %swap3A_344 = tpu.vector_load %arg7[%swap3A_342, %swap3A_343] {strides = array<i32>} : memref<128x64xf32, #tpu.memory_space<vmem>>, vector<1x16xf32>,
      %swap3A_345 = vector.shape_cast %swap3A_344 : vector<1x16xf32> to vector<16xf32>
      %swap3A_346 = vector.shape_cast %scan3A_325#3 : vector<16xf32> to vector<1x16xf32>
      tpu.vector_store %arg7[%swap3A_342, %swap3A_343], %swap3A_346 {strides = array<i32>} : memref<128x64xf32, #tpu.memory_space<vmem>>, vector<1x16xf32>,
      %add3A_347 = arith.constant 4 : i32
      %add3A_348 = arith.addi %add3A_303, %add3A_347 : i32
      %lt3A_349 = arith.constant 128 : i32
      %lt3A_350 = arith.cmpi slt, %add3A_348, %lt3A_349 : i32
      %convert_element_type3A_351 = arith.extui %lt3A_350 : i1 to i32
      %cond3A_352 = arith.constant 0 : i32
      %cond3A_353 = arith.cmpi ne, %convert_element_type3A_351, %cond3A_352 : i32
      scf.if %cond3A_353 {
        %dma_start3A_463 = arith.constant 1 : i32
        %dma_start3A_464 = arith.constant 0 : i32
        %dma_start3A_465 = arith.constant 0 : i32
        %dma_start3A_466 = tpu.memref_slice %arg6[%dma_start3A_463, %dma_start3A_464, %dma_start3A_465] : memref<4x200x64xf32, #tpu.memory_space<vmem>> -> memref<1x40x64xf32, #tpu.memory_space<vmem>>
        %dma_start3A_467 = tpu.memref_squeeze %dma_start3A_466 : memref<1x40x64xf32, #tpu.memory_space<vmem>> -> memref<40x64xf32, #tpu.memory_space<vmem>>
        %dma_start3A_468 = arith.constant 0 : i32
        %dma_start3A_469 = tpu.memref_slice %arg5[%add3A_348, %dma_start3A_468] : memref<128x200xi32, #tpu.memory_space<vmem>> -> memref<1x40xi32, #tpu.memory_space<vmem>>
        %dma_start3A_470 = tpu.memref_squeeze %dma_start3A_469 : memref<1x40xi32, #tpu.memory_space<vmem>> -> memref<40xi32, #tpu.memory_space<vmem>>
        %dma_start3A_471 = arith.constant 0 : i32
        %dma_start3A_472 = arith.constant 0 : i32
        %dma_start3A_473 = tpu.memref_slice %arg2[%dma_start3A_471, %dma_start3A_472] : memref<1000001x64xf32, #tpu.memory_space<hbm>> -> memref<1000001x64xf32, #tpu.memory_space<hbm>>
        tpu.enqueue_indirect_dma source(%dma_start3A_473 : memref<1000001x64xf32, #tpu.memory_space<hbm>>) target(%dma_start3A_467 : memref<40x64xf32, #tpu.memory_space<vmem>>) offsets(%dma_start3A_470 : memref<40xi32, #tpu.memory_space<vmem>>) semaphore(%arg9 : memref<!tpu.dma_semaphore, #tpu.memory_space<semaphore_mem>>)
        %dma_start3A_474 = arith.constant 1 : i32
        %dma_start3A_475 = arith.constant 40 : i32
        %dma_start3A_476 = arith.constant 0 : i32
        %dma_start3A_477 = tpu.memref_slice %arg6[%dma_start3A_474, %dma_start3A_475, %dma_start3A_476] : memref<4x200x64xf32, #tpu.memory_space<vmem>> -> memref<1x40x64xf32, #tpu.memory_space<vmem>>
        %dma_start3A_478 = tpu.memref_squeeze %dma_start3A_477 : memref<1x40x64xf32, #tpu.memory_space<vmem>> -> memref<40x64xf32, #tpu.memory_space<vmem>>
        %dma_start3A_479 = arith.constant 40 : i32
        %dma_start3A_480 = tpu.memref_slice %arg5[%add3A_348, %dma_start3A_479] : memref<128x200xi32, #tpu.memory_space<vmem>> -> memref<1x40xi32, #tpu.memory_space<vmem>>
        %dma_start3A_481 = tpu.memref_squeeze %dma_start3A_480 : memref<1x40xi32, #tpu.memory_space<vmem>> -> memref<40xi32, #tpu.memory_space<vmem>>
        %dma_start3A_482 = arith.constant 0 : i32
        %dma_start3A_483 = arith.constant 0 : i32
        %dma_start3A_484 = tpu.memref_slice %arg2[%dma_start3A_482, %dma_start3A_483] : memref<1000001x64xf32, #tpu.memory_space<hbm>> -> memref<1000001x64xf32, #tpu.memory_space<hbm>>
        tpu.enqueue_indirect_dma source(%dma_start3A_484 : memref<1000001x64xf32, #tpu.memory_space<hbm>>) target(%dma_start3A_478 : memref<40x64xf32, #tpu.memory_space<vmem>>) offsets(%dma_start3A_481 : memref<40xi32, #tpu.memory_space<vmem>>) semaphore(%arg9 : memref<!tpu.dma_semaphore, #tpu.memory_space<semaphore_mem>>)
        %dma_start3A_485 = arith.constant 1 : i32
        %dma_start3A_486 = arith.constant 80 : i32
        %dma_start3A_487 = arith.constant 0 : i32
        %dma_start3A_488 = tpu.memref_slice %arg6[%dma_start3A_485, %dma_start3A_486, %dma_start3A_487] : memref<4x200x64xf32, #tpu.memory_space<vmem>> -> memref<1x40x64xf32, #tpu.memory_space<vmem>>
        %dma_start3A_489 = tpu.memref_squeeze %dma_start3A_488 : memref<1x40x64xf32, #tpu.memory_space<vmem>> -> memref<40x64xf32, #tpu.memory_space<vmem>>
        %dma_start3A_490 = arith.constant 80 : i32
        %dma_start3A_491 = tpu.memref_slice %arg5[%add3A_348, %dma_start3A_490] : memref<128x200xi32, #tpu.memory_space<vmem>> -> memref<1x40xi32, #tpu.memory_space<vmem>>
        %dma_start3A_492 = tpu.memref_squeeze %dma_start3A_491 : memref<1x40xi32, #tpu.memory_space<vmem>> -> memref<40xi32, #tpu.memory_space<vmem>>
        %dma_start3A_493 = arith.constant 0 : i32
        %dma_start3A_494 = arith.constant 0 : i32
        %dma_start3A_495 = tpu.memref_slice %arg2[%dma_start3A_493, %dma_start3A_494] : memref<1000001x64xf32, #tpu.memory_space<hbm>> -> memref<1000001x64xf32, #tpu.memory_space<hbm>>
        tpu.enqueue_indirect_dma source(%dma_start3A_495 : memref<1000001x64xf32, #tpu.memory_space<hbm>>) target(%dma_start3A_489 : memref<40x64xf32, #tpu.memory_space<vmem>>) offsets(%dma_start3A_492 : memref<40xi32, #tpu.memory_space<vmem>>) semaphore(%arg9 : memref<!tpu.dma_semaphore, #tpu.memory_space<semaphore_mem>>)
        %dma_start3A_496 = arith.constant 1 : i32
        %dma_start3A_497 = arith.constant 120 : i32
        %dma_start3A_498 = arith.constant 0 : i32
        %dma_start3A_499 = tpu.memref_slice %arg6[%dma_start3A_496, %dma_start3A_497, %dma_start3A_498] : memref<4x200x64xf32, #tpu.memory_space<vmem>> -> memref<1x40x64xf32, #tpu.memory_space<vmem>>
        %dma_start3A_500 = tpu.memref_squeeze %dma_start3A_499 : memref<1x40x64xf32, #tpu.memory_space<vmem>> -> memref<40x64xf32, #tpu.memory_space<vmem>>
        %dma_start3A_501 = arith.constant 120 : i32
        %dma_start3A_502 = tpu.memref_slice %arg5[%add3A_348, %dma_start3A_501] : memref<128x200xi32, #tpu.memory_space<vmem>> -> memref<1x40xi32, #tpu.memory_space<vmem>>
        %dma_start3A_503 = tpu.memref_squeeze %dma_start3A_502 : memref<1x40xi32, #tpu.memory_space<vmem>> -> memref<40xi32, #tpu.memory_space<vmem>>
        %dma_start3A_504 = arith.constant 0 : i32
        %dma_start3A_505 = arith.constant 0 : i32
        %dma_start3A_506 = tpu.memref_slice %arg2[%dma_start3A_504, %dma_start3A_505] : memref<1000001x64xf32, #tpu.memory_space<hbm>> -> memref<1000001x64xf32, #tpu.memory_space<hbm>>
        tpu.enqueue_indirect_dma source(%dma_start3A_506 : memref<1000001x64xf32, #tpu.memory_space<hbm>>) target(%dma_start3A_500 : memref<40x64xf32, #tpu.memory_space<vmem>>) offsets(%dma_start3A_503 : memref<40xi32, #tpu.memory_space<vmem>>) semaphore(%arg9 : memref<!tpu.dma_semaphore, #tpu.memory_space<semaphore_mem>>)
        %dma_start3A_507 = arith.constant 1 : i32
        %dma_start3A_508 = arith.constant 160 : i32
        %dma_start3A_509 = arith.constant 0 : i32
        %dma_start3A_510 = tpu.memref_slice %arg6[%dma_start3A_507, %dma_start3A_508, %dma_start3A_509] : memref<4x200x64xf32, #tpu.memory_space<vmem>> -> memref<1x40x64xf32, #tpu.memory_space<vmem>>
        %dma_start3A_511 = tpu.memref_squeeze %dma_start3A_510 : memref<1x40x64xf32, #tpu.memory_space<vmem>> -> memref<40x64xf32, #tpu.memory_space<vmem>>
        %dma_start3A_512 = arith.constant 160 : i32
        %dma_start3A_513 = tpu.memref_slice %arg5[%add3A_348, %dma_start3A_512] : memref<128x200xi32, #tpu.memory_space<vmem>> -> memref<1x40xi32, #tpu.memory_space<vmem>>
        %dma_start3A_514 = tpu.memref_squeeze %dma_start3A_513 : memref<1x40xi32, #tpu.memory_space<vmem>> -> memref<40xi32, #tpu.memory_space<vmem>>
        %dma_start3A_515 = arith.constant 0 : i32
        %dma_start3A_516 = arith.constant 0 : i32
        %dma_start3A_517 = tpu.memref_slice %arg2[%dma_start3A_515, %dma_start3A_516] : memref<1000001x64xf32, #tpu.memory_space<hbm>> -> memref<1000001x64xf32, #tpu.memory_space<hbm>>
        tpu.enqueue_indirect_dma source(%dma_start3A_517 : memref<1000001x64xf32, #tpu.memory_space<hbm>>) target(%dma_start3A_511 : memref<40x64xf32, #tpu.memory_space<vmem>>) offsets(%dma_start3A_514 : memref<40xi32, #tpu.memory_space<vmem>>) semaphore(%arg9 : memref<!tpu.dma_semaphore, #tpu.memory_space<semaphore_mem>>)
      } else {
      }
      %mul3A_354 = arith.constant 4 : i32
      %mul3A_355 = arith.muli %scan3A_250, %mul3A_354 : i32
      %add3A_356 = arith.constant 2 : i32
      %add3A_357 = arith.addi %mul3A_355, %add3A_356 : i32
      %dma_wait3A_358 = arith.constant 2 : i32
      %dma_wait3A_359 = arith.constant 0 : i32
      %dma_wait3A_360 = arith.constant 0 : i32
      %dma_wait3A_361 = tpu.memref_slice %arg6[%dma_wait3A_358, %dma_wait3A_359, %dma_wait3A_360] : memref<4x200x64xf32, #tpu.memory_space<vmem>> -> memref<1x200x64xf32, #tpu.memory_space<vmem>>
      %dma_wait3A_362 = tpu.memref_squeeze %dma_wait3A_361 : memref<1x200x64xf32, #tpu.memory_space<vmem>> -> memref<200x64xf32, #tpu.memory_space<vmem>>
      %dma_wait3A_363 = arith.constant 0 : i32
      %dma_wait3A_364 = arith.constant 0 : i32
      %dma_wait3A_365 = tpu.memref_slice %arg2[%dma_wait3A_363, %dma_wait3A_364] : memref<1000001x64xf32, #tpu.memory_space<hbm>> -> memref<200x64xf32, #tpu.memory_space<hbm>>
      %dma_wait3A_366 = arith.constant 0 : i32
      %dma_wait3A_367 = arith.constant 0 : i32
      %dma_wait3A_368 = tpu.memref_slice %arg6[%dma_wait3A_358, %dma_wait3A_366, %dma_wait3A_367] : memref<4x200x64xf32, #tpu.memory_space<vmem>> -> memref<1x200x64xf32, #tpu.memory_space<vmem>>
      %dma_wait3A_369 = tpu.memref_squeeze %dma_wait3A_368 : memref<1x200x64xf32, #tpu.memory_space<vmem>> -> memref<200x64xf32, #tpu.memory_space<vmem>>
      %dma_wait3A_370 = arith.constant 0 : i32
      %dma_wait3A_371 = arith.constant 0 : i32
      %dma_wait3A_372 = tpu.memref_slice %arg2[%dma_wait3A_370, %dma_wait3A_371] : memref<1000001x64xf32, #tpu.memory_space<hbm>> -> memref<200x64xf32, #tpu.memory_space<hbm>>
      tpu.wait_dma2 semaphore(%arg10 : memref<!tpu.dma_semaphore, #tpu.memory_space<semaphore_mem>>) src(%dma_wait3A_372 : memref<200x64xf32, #tpu.memory_space<hbm>>) dst(%dma_wait3A_369 : memref<200x64xf32, #tpu.memory_space<vmem>>)
      %broadcast_in_dim3A_373 = arith.constant 0.000000e+00 : f32
      %broadcast_in_dim3A_374 = vector.broadcast %broadcast_in_dim3A_373 : f32 to vector<16xf32>
      %scan3A_375 = arith.constant 0 : i32
      %scan3A_376 = arith.constant 25 : i32
      %scan3A_377 = arith.addi %scan3A_375, %scan3A_376 : i32
      %scan3A_378 = arith.constant 1 : i32
      %scan3A_379:4 = scf.for %scan3A_463 = %scan3A_375 to %scan3A_377 step %scan3A_378 iter_args(%scan3A_464 = %broadcast_in_dim3A_374, %scan3A_465 = %broadcast_in_dim3A_374, %scan3A_466 = %broadcast_in_dim3A_374, %scan3A_467 = %broadcast_in_dim3A_374) -> (vector<16xf32>, vector<16xf32>, vector<16xf32>, vector<16xf32>)  : i32 {
        %mul3A_468 = arith.constant 8 : i32
        %mul3A_469 = arith.muli %scan3A_463, %mul3A_468 : i32
        %add3A_470 = arith.constant 0 : i32
        %add3A_471 = arith.addi %mul3A_469, %add3A_470 : i32
        %get3A = arith.constant 2 : i32
        %get3A_472 = arith.index_cast %get3A : i32 to index
        %get3A_473 = arith.index_cast %add3A_471 : i32 to index
        %get3A_474 = arith.constant 0 : index
        %get3A_475 = tpu.vector_load %arg6[%get3A_472, %get3A_473, %get3A_474] {strides = array<i32>} : memref<4x200x64xf32, #tpu.memory_space<vmem>>, vector<1x1x16xf32>,
        %get3A_476 = vector.shape_cast %get3A_475 : vector<1x1x16xf32> to vector<16xf32>
        %add3A_477 = arith.addf %scan3A_464, %get3A_476 : vector<16xf32>
        %get3A_478 = arith.constant 2 : i32
        %get3A_479 = arith.index_cast %get3A_478 : i32 to index
        %get3A_480 = arith.index_cast %add3A_471 : i32 to index
        %get3A_481 = arith.constant 16 : index
        %get3A_482 = tpu.vector_load %arg6[%get3A_479, %get3A_480, %get3A_481] {strides = array<i32>} : memref<4x200x64xf32, #tpu.memory_space<vmem>>, vector<1x1x16xf32>,
        %get3A_483 = vector.shape_cast %get3A_482 : vector<1x1x16xf32> to vector<16xf32>
        %add3A_484 = arith.addf %scan3A_465, %get3A_483 : vector<16xf32>
        %get3A_485 = arith.constant 2 : i32
        %get3A_486 = arith.index_cast %get3A_485 : i32 to index
        %get3A_487 = arith.index_cast %add3A_471 : i32 to index
        %get3A_488 = arith.constant 32 : index
        %get3A_489 = tpu.vector_load %arg6[%get3A_486, %get3A_487, %get3A_488] {strides = array<i32>} : memref<4x200x64xf32, #tpu.memory_space<vmem>>, vector<1x1x16xf32>,
        %get3A_490 = vector.shape_cast %get3A_489 : vector<1x1x16xf32> to vector<16xf32>
        %add3A_491 = arith.addf %scan3A_466, %get3A_490 : vector<16xf32>
        %get3A_492 = arith.constant 2 : i32
        %get3A_493 = arith.index_cast %get3A_492 : i32 to index
        %get3A_494 = arith.index_cast %add3A_471 : i32 to index
        %get3A_495 = arith.constant 48 : index
        %get3A_496 = tpu.vector_load %arg6[%get3A_493, %get3A_494, %get3A_495] {strides = array<i32>} : memref<4x200x64xf32, #tpu.memory_space<vmem>>, vector<1x1x16xf32>,
        %get3A_497 = vector.shape_cast %get3A_496 : vector<1x1x16xf32> to vector<16xf32>
        %add3A_498 = arith.addf %scan3A_467, %get3A_497 : vector<16xf32>
        %mul3A_499 = arith.constant 8 : i32
        %mul3A_500 = arith.muli %scan3A_463, %mul3A_499 : i32
        %add3A_501 = arith.constant 1 : i32
        %add3A_502 = arith.addi %mul3A_500, %add3A_501 : i32
        %get3A_503 = arith.constant 2 : i32
        %get3A_504 = arith.index_cast %get3A_503 : i32 to index
        %get3A_505 = arith.index_cast %add3A_502 : i32 to index
        %get3A_506 = arith.constant 0 : index
        %get3A_507 = tpu.vector_load %arg6[%get3A_504, %get3A_505, %get3A_506] {strides = array<i32>} : memref<4x200x64xf32, #tpu.memory_space<vmem>>, vector<1x1x16xf32>,
        %get3A_508 = vector.shape_cast %get3A_507 : vector<1x1x16xf32> to vector<16xf32>
        %add3A_509 = arith.addf %add3A_477, %get3A_508 : vector<16xf32>
        %get3A_510 = arith.constant 2 : i32
        %get3A_511 = arith.index_cast %get3A_510 : i32 to index
        %get3A_512 = arith.index_cast %add3A_502 : i32 to index
        %get3A_513 = arith.constant 16 : index
        %get3A_514 = tpu.vector_load %arg6[%get3A_511, %get3A_512, %get3A_513] {strides = array<i32>} : memref<4x200x64xf32, #tpu.memory_space<vmem>>, vector<1x1x16xf32>,
        %get3A_515 = vector.shape_cast %get3A_514 : vector<1x1x16xf32> to vector<16xf32>
        %add3A_516 = arith.addf %add3A_484, %get3A_515 : vector<16xf32>
        %get3A_517 = arith.constant 2 : i32
        %get3A_518 = arith.index_cast %get3A_517 : i32 to index
        %get3A_519 = arith.index_cast %add3A_502 : i32 to index
        %get3A_520 = arith.constant 32 : index
        %get3A_521 = tpu.vector_load %arg6[%get3A_518, %get3A_519, %get3A_520] {strides = array<i32>} : memref<4x200x64xf32, #tpu.memory_space<vmem>>, vector<1x1x16xf32>,
        %get3A_522 = vector.shape_cast %get3A_521 : vector<1x1x16xf32> to vector<16xf32>
        %add3A_523 = arith.addf %add3A_491, %get3A_522 : vector<16xf32>
        %get3A_524 = arith.constant 2 : i32
        %get3A_525 = arith.index_cast %get3A_524 : i32 to index
        %get3A_526 = arith.index_cast %add3A_502 : i32 to index
        %get3A_527 = arith.constant 48 : index
        %get3A_528 = tpu.vector_load %arg6[%get3A_525, %get3A_526, %get3A_527] {strides = array<i32>} : memref<4x200x64xf32, #tpu.memory_space<vmem>>, vector<1x1x16xf32>,
        %get3A_529 = vector.shape_cast %get3A_528 : vector<1x1x16xf32> to vector<16xf32>
        %add3A_530 = arith.addf %add3A_498, %get3A_529 : vector<16xf32>
        %mul3A_531 = arith.constant 8 : i32
        %mul3A_532 = arith.muli %scan3A_463, %mul3A_531 : i32
        %add3A_533 = arith.constant 2 : i32
        %add3A_534 = arith.addi %mul3A_532, %add3A_533 : i32
        %get3A_535 = arith.constant 2 : i32
        %get3A_536 = arith.index_cast %get3A_535 : i32 to index
        %get3A_537 = arith.index_cast %add3A_534 : i32 to index
        %get3A_538 = arith.constant 0 : index
        %get3A_539 = tpu.vector_load %arg6[%get3A_536, %get3A_537, %get3A_538] {strides = array<i32>} : memref<4x200x64xf32, #tpu.memory_space<vmem>>, vector<1x1x16xf32>,
        %get3A_540 = vector.shape_cast %get3A_539 : vector<1x1x16xf32> to vector<16xf32>
        %add3A_541 = arith.addf %add3A_509, %get3A_540 : vector<16xf32>
        %get3A_542 = arith.constant 2 : i32
        %get3A_543 = arith.index_cast %get3A_542 : i32 to index
        %get3A_544 = arith.index_cast %add3A_534 : i32 to index
        %get3A_545 = arith.constant 16 : index
        %get3A_546 = tpu.vector_load %arg6[%get3A_543, %get3A_544, %get3A_545] {strides = array<i32>} : memref<4x200x64xf32, #tpu.memory_space<vmem>>, vector<1x1x16xf32>,
        %get3A_547 = vector.shape_cast %get3A_546 : vector<1x1x16xf32> to vector<16xf32>
        %add3A_548 = arith.addf %add3A_516, %get3A_547 : vector<16xf32>
        %get3A_549 = arith.constant 2 : i32
        %get3A_550 = arith.index_cast %get3A_549 : i32 to index
        %get3A_551 = arith.index_cast %add3A_534 : i32 to index
        %get3A_552 = arith.constant 32 : index
        %get3A_553 = tpu.vector_load %arg6[%get3A_550, %get3A_551, %get3A_552] {strides = array<i32>} : memref<4x200x64xf32, #tpu.memory_space<vmem>>, vector<1x1x16xf32>,
        %get3A_554 = vector.shape_cast %get3A_553 : vector<1x1x16xf32> to vector<16xf32>
        %add3A_555 = arith.addf %add3A_523, %get3A_554 : vector<16xf32>
        %get3A_556 = arith.constant 2 : i32
        %get3A_557 = arith.index_cast %get3A_556 : i32 to index
        %get3A_558 = arith.index_cast %add3A_534 : i32 to index
        %get3A_559 = arith.constant 48 : index
        %get3A_560 = tpu.vector_load %arg6[%get3A_557, %get3A_558, %get3A_559] {strides = array<i32>} : memref<4x200x64xf32, #tpu.memory_space<vmem>>, vector<1x1x16xf32>,
        %get3A_561 = vector.shape_cast %get3A_560 : vector<1x1x16xf32> to vector<16xf32>
        %add3A_562 = arith.addf %add3A_530, %get3A_561 : vector<16xf32>
        %mul3A_563 = arith.constant 8 : i32
        %mul3A_564 = arith.muli %scan3A_463, %mul3A_563 : i32
        %add3A_565 = arith.constant 3 : i32
        %add3A_566 = arith.addi %mul3A_564, %add3A_565 : i32
        %get3A_567 = arith.constant 2 : i32
        %get3A_568 = arith.index_cast %get3A_567 : i32 to index
        %get3A_569 = arith.index_cast %add3A_566 : i32 to index
        %get3A_570 = arith.constant 0 : index
        %get3A_571 = tpu.vector_load %arg6[%get3A_568, %get3A_569, %get3A_570] {strides = array<i32>} : memref<4x200x64xf32, #tpu.memory_space<vmem>>, vector<1x1x16xf32>,
        %get3A_572 = vector.shape_cast %get3A_571 : vector<1x1x16xf32> to vector<16xf32>
        %add3A_573 = arith.addf %add3A_541, %get3A_572 : vector<16xf32>
        %get3A_574 = arith.constant 2 : i32
        %get3A_575 = arith.index_cast %get3A_574 : i32 to index
        %get3A_576 = arith.index_cast %add3A_566 : i32 to index
        %get3A_577 = arith.constant 16 : index
        %get3A_578 = tpu.vector_load %arg6[%get3A_575, %get3A_576, %get3A_577] {strides = array<i32>} : memref<4x200x64xf32, #tpu.memory_space<vmem>>, vector<1x1x16xf32>,
        %get3A_579 = vector.shape_cast %get3A_578 : vector<1x1x16xf32> to vector<16xf32>
        %add3A_580 = arith.addf %add3A_548, %get3A_579 : vector<16xf32>
        %get3A_581 = arith.constant 2 : i32
        %get3A_582 = arith.index_cast %get3A_581 : i32 to index
        %get3A_583 = arith.index_cast %add3A_566 : i32 to index
        %get3A_584 = arith.constant 32 : index
        %get3A_585 = tpu.vector_load %arg6[%get3A_582, %get3A_583, %get3A_584] {strides = array<i32>} : memref<4x200x64xf32, #tpu.memory_space<vmem>>, vector<1x1x16xf32>,
        %get3A_586 = vector.shape_cast %get3A_585 : vector<1x1x16xf32> to vector<16xf32>
        %add3A_587 = arith.addf %add3A_555, %get3A_586 : vector<16xf32>
        %get3A_588 = arith.constant 2 : i32
        %get3A_589 = arith.index_cast %get3A_588 : i32 to index
        %get3A_590 = arith.index_cast %add3A_566 : i32 to index
        %get3A_591 = arith.constant 48 : index
        %get3A_592 = tpu.vector_load %arg6[%get3A_589, %get3A_590, %get3A_591] {strides = array<i32>} : memref<4x200x64xf32, #tpu.memory_space<vmem>>, vector<1x1x16xf32>,
        %get3A_593 = vector.shape_cast %get3A_592 : vector<1x1x16xf32> to vector<16xf32>
        %add3A_594 = arith.addf %add3A_562, %get3A_593 : vector<16xf32>
        %mul3A_595 = arith.constant 8 : i32
        %mul3A_596 = arith.muli %scan3A_463, %mul3A_595 : i32
        %add3A_597 = arith.constant 4 : i32
        %add3A_598 = arith.addi %mul3A_596, %add3A_597 : i32
        %get3A_599 = arith.constant 2 : i32
        %get3A_600 = arith.index_cast %get3A_599 : i32 to index
        %get3A_601 = arith.index_cast %add3A_598 : i32 to index
        %get3A_602 = arith.constant 0 : index
        %get3A_603 = tpu.vector_load %arg6[%get3A_600, %get3A_601, %get3A_602] {strides = array<i32>} : memref<4x200x64xf32, #tpu.memory_space<vmem>>, vector<1x1x16xf32>,
        %get3A_604 = vector.shape_cast %get3A_603 : vector<1x1x16xf32> to vector<16xf32>
        %add3A_605 = arith.addf %add3A_573, %get3A_604 : vector<16xf32>
        %get3A_606 = arith.constant 2 : i32
        %get3A_607 = arith.index_cast %get3A_606 : i32 to index
        %get3A_608 = arith.index_cast %add3A_598 : i32 to index
        %get3A_609 = arith.constant 16 : index
        %get3A_610 = tpu.vector_load %arg6[%get3A_607, %get3A_608, %get3A_609] {strides = array<i32>} : memref<4x200x64xf32, #tpu.memory_space<vmem>>, vector<1x1x16xf32>,
        %get3A_611 = vector.shape_cast %get3A_610 : vector<1x1x16xf32> to vector<16xf32>
        %add3A_612 = arith.addf %add3A_580, %get3A_611 : vector<16xf32>
        %get3A_613 = arith.constant 2 : i32
        %get3A_614 = arith.index_cast %get3A_613 : i32 to index
        %get3A_615 = arith.index_cast %add3A_598 : i32 to index
        %get3A_616 = arith.constant 32 : index
        %get3A_617 = tpu.vector_load %arg6[%get3A_614, %get3A_615, %get3A_616] {strides = array<i32>} : memref<4x200x64xf32, #tpu.memory_space<vmem>>, vector<1x1x16xf32>,
        %get3A_618 = vector.shape_cast %get3A_617 : vector<1x1x16xf32> to vector<16xf32>
        %add3A_619 = arith.addf %add3A_587, %get3A_618 : vector<16xf32>
        %get3A_620 = arith.constant 2 : i32
        %get3A_621 = arith.index_cast %get3A_620 : i32 to index
        %get3A_622 = arith.index_cast %add3A_598 : i32 to index
        %get3A_623 = arith.constant 48 : index
        %get3A_624 = tpu.vector_load %arg6[%get3A_621, %get3A_622, %get3A_623] {strides = array<i32>} : memref<4x200x64xf32, #tpu.memory_space<vmem>>, vector<1x1x16xf32>,
        %get3A_625 = vector.shape_cast %get3A_624 : vector<1x1x16xf32> to vector<16xf32>
        %add3A_626 = arith.addf %add3A_594, %get3A_625 : vector<16xf32>
        %mul3A_627 = arith.constant 8 : i32
        %mul3A_628 = arith.muli %scan3A_463, %mul3A_627 : i32
        %add3A_629 = arith.constant 5 : i32
        %add3A_630 = arith.addi %mul3A_628, %add3A_629 : i32
        %get3A_631 = arith.constant 2 : i32
        %get3A_632 = arith.index_cast %get3A_631 : i32 to index
        %get3A_633 = arith.index_cast %add3A_630 : i32 to index
        %get3A_634 = arith.constant 0 : index
        %get3A_635 = tpu.vector_load %arg6[%get3A_632, %get3A_633, %get3A_634] {strides = array<i32>} : memref<4x200x64xf32, #tpu.memory_space<vmem>>, vector<1x1x16xf32>,
        %get3A_636 = vector.shape_cast %get3A_635 : vector<1x1x16xf32> to vector<16xf32>
        %add3A_637 = arith.addf %add3A_605, %get3A_636 : vector<16xf32>
        %get3A_638 = arith.constant 2 : i32
        %get3A_639 = arith.index_cast %get3A_638 : i32 to index
        %get3A_640 = arith.index_cast %add3A_630 : i32 to index
        %get3A_641 = arith.constant 16 : index
        %get3A_642 = tpu.vector_load %arg6[%get3A_639, %get3A_640, %get3A_641] {strides = array<i32>} : memref<4x200x64xf32, #tpu.memory_space<vmem>>, vector<1x1x16xf32>,
        %get3A_643 = vector.shape_cast %get3A_642 : vector<1x1x16xf32> to vector<16xf32>
        %add3A_644 = arith.addf %add3A_612, %get3A_643 : vector<16xf32>
        %get3A_645 = arith.constant 2 : i32
        %get3A_646 = arith.index_cast %get3A_645 : i32 to index
        %get3A_647 = arith.index_cast %add3A_630 : i32 to index
        %get3A_648 = arith.constant 32 : index
        %get3A_649 = tpu.vector_load %arg6[%get3A_646, %get3A_647, %get3A_648] {strides = array<i32>} : memref<4x200x64xf32, #tpu.memory_space<vmem>>, vector<1x1x16xf32>,
        %get3A_650 = vector.shape_cast %get3A_649 : vector<1x1x16xf32> to vector<16xf32>
        %add3A_651 = arith.addf %add3A_619, %get3A_650 : vector<16xf32>
        %get3A_652 = arith.constant 2 : i32
        %get3A_653 = arith.index_cast %get3A_652 : i32 to index
        %get3A_654 = arith.index_cast %add3A_630 : i32 to index
        %get3A_655 = arith.constant 48 : index
        %get3A_656 = tpu.vector_load %arg6[%get3A_653, %get3A_654, %get3A_655] {strides = array<i32>} : memref<4x200x64xf32, #tpu.memory_space<vmem>>, vector<1x1x16xf32>,
        %get3A_657 = vector.shape_cast %get3A_656 : vector<1x1x16xf32> to vector<16xf32>
        %add3A_658 = arith.addf %add3A_626, %get3A_657 : vector<16xf32>
        %mul3A_659 = arith.constant 8 : i32
        %mul3A_660 = arith.muli %scan3A_463, %mul3A_659 : i32
        %add3A_661 = arith.constant 6 : i32
        %add3A_662 = arith.addi %mul3A_660, %add3A_661 : i32
        %get3A_663 = arith.constant 2 : i32
        %get3A_664 = arith.index_cast %get3A_663 : i32 to index
        %get3A_665 = arith.index_cast %add3A_662 : i32 to index
        %get3A_666 = arith.constant 0 : index
        %get3A_667 = tpu.vector_load %arg6[%get3A_664, %get3A_665, %get3A_666] {strides = array<i32>} : memref<4x200x64xf32, #tpu.memory_space<vmem>>, vector<1x1x16xf32>,
        %get3A_668 = vector.shape_cast %get3A_667 : vector<1x1x16xf32> to vector<16xf32>
        %add3A_669 = arith.addf %add3A_637, %get3A_668 : vector<16xf32>
        %get3A_670 = arith.constant 2 : i32
        %get3A_671 = arith.index_cast %get3A_670 : i32 to index
        %get3A_672 = arith.index_cast %add3A_662 : i32 to index
        %get3A_673 = arith.constant 16 : index
        %get3A_674 = tpu.vector_load %arg6[%get3A_671, %get3A_672, %get3A_673] {strides = array<i32>} : memref<4x200x64xf32, #tpu.memory_space<vmem>>, vector<1x1x16xf32>,
        %get3A_675 = vector.shape_cast %get3A_674 : vector<1x1x16xf32> to vector<16xf32>
        %add3A_676 = arith.addf %add3A_644, %get3A_675 : vector<16xf32>
        %get3A_677 = arith.constant 2 : i32
        %get3A_678 = arith.index_cast %get3A_677 : i32 to index
        %get3A_679 = arith.index_cast %add3A_662 : i32 to index
        %get3A_680 = arith.constant 32 : index
        %get3A_681 = tpu.vector_load %arg6[%get3A_678, %get3A_679, %get3A_680] {strides = array<i32>} : memref<4x200x64xf32, #tpu.memory_space<vmem>>, vector<1x1x16xf32>,
        %get3A_682 = vector.shape_cast %get3A_681 : vector<1x1x16xf32> to vector<16xf32>
        %add3A_683 = arith.addf %add3A_651, %get3A_682 : vector<16xf32>
        %get3A_684 = arith.constant 2 : i32
        %get3A_685 = arith.index_cast %get3A_684 : i32 to index
        %get3A_686 = arith.index_cast %add3A_662 : i32 to index
        %get3A_687 = arith.constant 48 : index
        %get3A_688 = tpu.vector_load %arg6[%get3A_685, %get3A_686, %get3A_687] {strides = array<i32>} : memref<4x200x64xf32, #tpu.memory_space<vmem>>, vector<1x1x16xf32>,
        %get3A_689 = vector.shape_cast %get3A_688 : vector<1x1x16xf32> to vector<16xf32>
        %add3A_690 = arith.addf %add3A_658, %get3A_689 : vector<16xf32>
        %mul3A_691 = arith.constant 8 : i32
        %mul3A_692 = arith.muli %scan3A_463, %mul3A_691 : i32
        %add3A_693 = arith.constant 7 : i32
        %add3A_694 = arith.addi %mul3A_692, %add3A_693 : i32
        %get3A_695 = arith.constant 2 : i32
        %get3A_696 = arith.index_cast %get3A_695 : i32 to index
        %get3A_697 = arith.index_cast %add3A_694 : i32 to index
        %get3A_698 = arith.constant 0 : index
        %get3A_699 = tpu.vector_load %arg6[%get3A_696, %get3A_697, %get3A_698] {strides = array<i32>} : memref<4x200x64xf32, #tpu.memory_space<vmem>>, vector<1x1x16xf32>,
        %get3A_700 = vector.shape_cast %get3A_699 : vector<1x1x16xf32> to vector<16xf32>
        %add3A_701 = arith.addf %add3A_669, %get3A_700 : vector<16xf32>
        %get3A_702 = arith.constant 2 : i32
        %get3A_703 = arith.index_cast %get3A_702 : i32 to index
        %get3A_704 = arith.index_cast %add3A_694 : i32 to index
        %get3A_705 = arith.constant 16 : index
        %get3A_706 = tpu.vector_load %arg6[%get3A_703, %get3A_704, %get3A_705] {strides = array<i32>} : memref<4x200x64xf32, #tpu.memory_space<vmem>>, vector<1x1x16xf32>,
        %get3A_707 = vector.shape_cast %get3A_706 : vector<1x1x16xf32> to vector<16xf32>
        %add3A_708 = arith.addf %add3A_676, %get3A_707 : vector<16xf32>
        %get3A_709 = arith.constant 2 : i32
        %get3A_710 = arith.index_cast %get3A_709 : i32 to index
        %get3A_711 = arith.index_cast %add3A_694 : i32 to index
        %get3A_712 = arith.constant 32 : index
        %get3A_713 = tpu.vector_load %arg6[%get3A_710, %get3A_711, %get3A_712] {strides = array<i32>} : memref<4x200x64xf32, #tpu.memory_space<vmem>>, vector<1x1x16xf32>,
        %get3A_714 = vector.shape_cast %get3A_713 : vector<1x1x16xf32> to vector<16xf32>
        %add3A_715 = arith.addf %add3A_683, %get3A_714 : vector<16xf32>
        %get3A_716 = arith.constant 2 : i32
        %get3A_717 = arith.index_cast %get3A_716 : i32 to index
        %get3A_718 = arith.index_cast %add3A_694 : i32 to index
        %get3A_719 = arith.constant 48 : index
        %get3A_720 = tpu.vector_load %arg6[%get3A_717, %get3A_718, %get3A_719] {strides = array<i32>} : memref<4x200x64xf32, #tpu.memory_space<vmem>>, vector<1x1x16xf32>,
        %get3A_721 = vector.shape_cast %get3A_720 : vector<1x1x16xf32> to vector<16xf32>
        %add3A_722 = arith.addf %add3A_690, %get3A_721 : vector<16xf32>
        scf.yield %add3A_701, %add3A_708, %add3A_715, %add3A_722 : vector<16xf32>, vector<16xf32>, vector<16xf32>, vector<16xf32>
      }
      %scan3A_380 = arith.constant 25 : i32
      %swap3A_381 = arith.index_cast %add3A_357 : i32 to index
      %swap3A_382 = arith.constant 0 : index
      %swap3A_383 = tpu.vector_load %arg7[%swap3A_381, %swap3A_382] {strides = array<i32>} : memref<128x64xf32, #tpu.memory_space<vmem>>, vector<1x16xf32>,
      %swap3A_384 = vector.shape_cast %swap3A_383 : vector<1x16xf32> to vector<16xf32>
      %swap3A_385 = vector.shape_cast %scan3A_379#0 : vector<16xf32> to vector<1x16xf32>
      tpu.vector_store %arg7[%swap3A_381, %swap3A_382], %swap3A_385 {strides = array<i32>} : memref<128x64xf32, #tpu.memory_space<vmem>>, vector<1x16xf32>,
      %swap3A_386 = arith.index_cast %add3A_357 : i32 to index
      %swap3A_387 = arith.constant 16 : index
      %swap3A_388 = tpu.vector_load %arg7[%swap3A_386, %swap3A_387] {strides = array<i32>} : memref<128x64xf32, #tpu.memory_space<vmem>>, vector<1x16xf32>,
      %swap3A_389 = vector.shape_cast %swap3A_388 : vector<1x16xf32> to vector<16xf32>
      %swap3A_390 = vector.shape_cast %scan3A_379#1 : vector<16xf32> to vector<1x16xf32>
      tpu.vector_store %arg7[%swap3A_386, %swap3A_387], %swap3A_390 {strides = array<i32>} : memref<128x64xf32, #tpu.memory_space<vmem>>, vector<1x16xf32>,
      %swap3A_391 = arith.index_cast %add3A_357 : i32 to index
      %swap3A_392 = arith.constant 32 : index
      %swap3A_393 = tpu.vector_load %arg7[%swap3A_391, %swap3A_392] {strides = array<i32>} : memref<128x64xf32, #tpu.memory_space<vmem>>, vector<1x16xf32>,
      %swap3A_394 = vector.shape_cast %swap3A_393 : vector<1x16xf32> to vector<16xf32>
      %swap3A_395 = vector.shape_cast %scan3A_379#2 : vector<16xf32> to vector<1x16xf32>
      tpu.vector_store %arg7[%swap3A_391, %swap3A_392], %swap3A_395 {strides = array<i32>} : memref<128x64xf32, #tpu.memory_space<vmem>>, vector<1x16xf32>,
      %swap3A_396 = arith.index_cast %add3A_357 : i32 to index
      %swap3A_397 = arith.constant 48 : index
      %swap3A_398 = tpu.vector_load %arg7[%swap3A_396, %swap3A_397] {strides = array<i32>} : memref<128x64xf32, #tpu.memory_space<vmem>>, vector<1x16xf32>,
      %swap3A_399 = vector.shape_cast %swap3A_398 : vector<1x16xf32> to vector<16xf32>
      %swap3A_400 = vector.shape_cast %scan3A_379#3 : vector<16xf32> to vector<1x16xf32>
      tpu.vector_store %arg7[%swap3A_396, %swap3A_397], %swap3A_400 {strides = array<i32>} : memref<128x64xf32, #tpu.memory_space<vmem>>, vector<1x16xf32>,
      %add3A_401 = arith.constant 4 : i32
      %add3A_402 = arith.addi %add3A_357, %add3A_401 : i32
      %lt3A_403 = arith.constant 128 : i32
      %lt3A_404 = arith.cmpi slt, %add3A_402, %lt3A_403 : i32
      %convert_element_type3A_405 = arith.extui %lt3A_404 : i1 to i32
      %cond3A_406 = arith.constant 0 : i32
      %cond3A_407 = arith.cmpi ne, %convert_element_type3A_405, %cond3A_406 : i32
      scf.if %cond3A_407 {
        %dma_start3A_463 = arith.constant 2 : i32
        %dma_start3A_464 = arith.constant 0 : i32
        %dma_start3A_465 = arith.constant 0 : i32
        %dma_start3A_466 = tpu.memref_slice %arg6[%dma_start3A_463, %dma_start3A_464, %dma_start3A_465] : memref<4x200x64xf32, #tpu.memory_space<vmem>> -> memref<1x40x64xf32, #tpu.memory_space<vmem>>
        %dma_start3A_467 = tpu.memref_squeeze %dma_start3A_466 : memref<1x40x64xf32, #tpu.memory_space<vmem>> -> memref<40x64xf32, #tpu.memory_space<vmem>>
        %dma_start3A_468 = arith.constant 0 : i32
        %dma_start3A_469 = tpu.memref_slice %arg5[%add3A_402, %dma_start3A_468] : memref<128x200xi32, #tpu.memory_space<vmem>> -> memref<1x40xi32, #tpu.memory_space<vmem>>
        %dma_start3A_470 = tpu.memref_squeeze %dma_start3A_469 : memref<1x40xi32, #tpu.memory_space<vmem>> -> memref<40xi32, #tpu.memory_space<vmem>>
        %dma_start3A_471 = arith.constant 0 : i32
        %dma_start3A_472 = arith.constant 0 : i32
        %dma_start3A_473 = tpu.memref_slice %arg2[%dma_start3A_471, %dma_start3A_472] : memref<1000001x64xf32, #tpu.memory_space<hbm>> -> memref<1000001x64xf32, #tpu.memory_space<hbm>>
        tpu.enqueue_indirect_dma source(%dma_start3A_473 : memref<1000001x64xf32, #tpu.memory_space<hbm>>) target(%dma_start3A_467 : memref<40x64xf32, #tpu.memory_space<vmem>>) offsets(%dma_start3A_470 : memref<40xi32, #tpu.memory_space<vmem>>) semaphore(%arg10 : memref<!tpu.dma_semaphore, #tpu.memory_space<semaphore_mem>>)
        %dma_start3A_474 = arith.constant 2 : i32
        %dma_start3A_475 = arith.constant 40 : i32
        %dma_start3A_476 = arith.constant 0 : i32
        %dma_start3A_477 = tpu.memref_slice %arg6[%dma_start3A_474, %dma_start3A_475, %dma_start3A_476] : memref<4x200x64xf32, #tpu.memory_space<vmem>> -> memref<1x40x64xf32, #tpu.memory_space<vmem>>
        %dma_start3A_478 = tpu.memref_squeeze %dma_start3A_477 : memref<1x40x64xf32, #tpu.memory_space<vmem>> -> memref<40x64xf32, #tpu.memory_space<vmem>>
        %dma_start3A_479 = arith.constant 40 : i32
        %dma_start3A_480 = tpu.memref_slice %arg5[%add3A_402, %dma_start3A_479] : memref<128x200xi32, #tpu.memory_space<vmem>> -> memref<1x40xi32, #tpu.memory_space<vmem>>
        %dma_start3A_481 = tpu.memref_squeeze %dma_start3A_480 : memref<1x40xi32, #tpu.memory_space<vmem>> -> memref<40xi32, #tpu.memory_space<vmem>>
        %dma_start3A_482 = arith.constant 0 : i32
        %dma_start3A_483 = arith.constant 0 : i32
        %dma_start3A_484 = tpu.memref_slice %arg2[%dma_start3A_482, %dma_start3A_483] : memref<1000001x64xf32, #tpu.memory_space<hbm>> -> memref<1000001x64xf32, #tpu.memory_space<hbm>>
        tpu.enqueue_indirect_dma source(%dma_start3A_484 : memref<1000001x64xf32, #tpu.memory_space<hbm>>) target(%dma_start3A_478 : memref<40x64xf32, #tpu.memory_space<vmem>>) offsets(%dma_start3A_481 : memref<40xi32, #tpu.memory_space<vmem>>) semaphore(%arg10 : memref<!tpu.dma_semaphore, #tpu.memory_space<semaphore_mem>>)
        %dma_start3A_485 = arith.constant 2 : i32
        %dma_start3A_486 = arith.constant 80 : i32
        %dma_start3A_487 = arith.constant 0 : i32
        %dma_start3A_488 = tpu.memref_slice %arg6[%dma_start3A_485, %dma_start3A_486, %dma_start3A_487] : memref<4x200x64xf32, #tpu.memory_space<vmem>> -> memref<1x40x64xf32, #tpu.memory_space<vmem>>
        %dma_start3A_489 = tpu.memref_squeeze %dma_start3A_488 : memref<1x40x64xf32, #tpu.memory_space<vmem>> -> memref<40x64xf32, #tpu.memory_space<vmem>>
        %dma_start3A_490 = arith.constant 80 : i32
        %dma_start3A_491 = tpu.memref_slice %arg5[%add3A_402, %dma_start3A_490] : memref<128x200xi32, #tpu.memory_space<vmem>> -> memref<1x40xi32, #tpu.memory_space<vmem>>
        %dma_start3A_492 = tpu.memref_squeeze %dma_start3A_491 : memref<1x40xi32, #tpu.memory_space<vmem>> -> memref<40xi32, #tpu.memory_space<vmem>>
        %dma_start3A_493 = arith.constant 0 : i32
        %dma_start3A_494 = arith.constant 0 : i32
        %dma_start3A_495 = tpu.memref_slice %arg2[%dma_start3A_493, %dma_start3A_494] : memref<1000001x64xf32, #tpu.memory_space<hbm>> -> memref<1000001x64xf32, #tpu.memory_space<hbm>>
        tpu.enqueue_indirect_dma source(%dma_start3A_495 : memref<1000001x64xf32, #tpu.memory_space<hbm>>) target(%dma_start3A_489 : memref<40x64xf32, #tpu.memory_space<vmem>>) offsets(%dma_start3A_492 : memref<40xi32, #tpu.memory_space<vmem>>) semaphore(%arg10 : memref<!tpu.dma_semaphore, #tpu.memory_space<semaphore_mem>>)
        %dma_start3A_496 = arith.constant 2 : i32
        %dma_start3A_497 = arith.constant 120 : i32
        %dma_start3A_498 = arith.constant 0 : i32
        %dma_start3A_499 = tpu.memref_slice %arg6[%dma_start3A_496, %dma_start3A_497, %dma_start3A_498] : memref<4x200x64xf32, #tpu.memory_space<vmem>> -> memref<1x40x64xf32, #tpu.memory_space<vmem>>
        %dma_start3A_500 = tpu.memref_squeeze %dma_start3A_499 : memref<1x40x64xf32, #tpu.memory_space<vmem>> -> memref<40x64xf32, #tpu.memory_space<vmem>>
        %dma_start3A_501 = arith.constant 120 : i32
        %dma_start3A_502 = tpu.memref_slice %arg5[%add3A_402, %dma_start3A_501] : memref<128x200xi32, #tpu.memory_space<vmem>> -> memref<1x40xi32, #tpu.memory_space<vmem>>
        %dma_start3A_503 = tpu.memref_squeeze %dma_start3A_502 : memref<1x40xi32, #tpu.memory_space<vmem>> -> memref<40xi32, #tpu.memory_space<vmem>>
        %dma_start3A_504 = arith.constant 0 : i32
        %dma_start3A_505 = arith.constant 0 : i32
        %dma_start3A_506 = tpu.memref_slice %arg2[%dma_start3A_504, %dma_start3A_505] : memref<1000001x64xf32, #tpu.memory_space<hbm>> -> memref<1000001x64xf32, #tpu.memory_space<hbm>>
        tpu.enqueue_indirect_dma source(%dma_start3A_506 : memref<1000001x64xf32, #tpu.memory_space<hbm>>) target(%dma_start3A_500 : memref<40x64xf32, #tpu.memory_space<vmem>>) offsets(%dma_start3A_503 : memref<40xi32, #tpu.memory_space<vmem>>) semaphore(%arg10 : memref<!tpu.dma_semaphore, #tpu.memory_space<semaphore_mem>>)
        %dma_start3A_507 = arith.constant 2 : i32
        %dma_start3A_508 = arith.constant 160 : i32
        %dma_start3A_509 = arith.constant 0 : i32
        %dma_start3A_510 = tpu.memref_slice %arg6[%dma_start3A_507, %dma_start3A_508, %dma_start3A_509] : memref<4x200x64xf32, #tpu.memory_space<vmem>> -> memref<1x40x64xf32, #tpu.memory_space<vmem>>
        %dma_start3A_511 = tpu.memref_squeeze %dma_start3A_510 : memref<1x40x64xf32, #tpu.memory_space<vmem>> -> memref<40x64xf32, #tpu.memory_space<vmem>>
        %dma_start3A_512 = arith.constant 160 : i32
        %dma_start3A_513 = tpu.memref_slice %arg5[%add3A_402, %dma_start3A_512] : memref<128x200xi32, #tpu.memory_space<vmem>> -> memref<1x40xi32, #tpu.memory_space<vmem>>
        %dma_start3A_514 = tpu.memref_squeeze %dma_start3A_513 : memref<1x40xi32, #tpu.memory_space<vmem>> -> memref<40xi32, #tpu.memory_space<vmem>>
        %dma_start3A_515 = arith.constant 0 : i32
        %dma_start3A_516 = arith.constant 0 : i32
        %dma_start3A_517 = tpu.memref_slice %arg2[%dma_start3A_515, %dma_start3A_516] : memref<1000001x64xf32, #tpu.memory_space<hbm>> -> memref<1000001x64xf32, #tpu.memory_space<hbm>>
        tpu.enqueue_indirect_dma source(%dma_start3A_517 : memref<1000001x64xf32, #tpu.memory_space<hbm>>) target(%dma_start3A_511 : memref<40x64xf32, #tpu.memory_space<vmem>>) offsets(%dma_start3A_514 : memref<40xi32, #tpu.memory_space<vmem>>) semaphore(%arg10 : memref<!tpu.dma_semaphore, #tpu.memory_space<semaphore_mem>>)
      } else {
      }
      %mul3A_408 = arith.constant 4 : i32
      %mul3A_409 = arith.muli %scan3A_250, %mul3A_408 : i32
      %add3A_410 = arith.constant 3 : i32
      %add3A_411 = arith.addi %mul3A_409, %add3A_410 : i32
      %dma_wait3A_412 = arith.constant 3 : i32
      %dma_wait3A_413 = arith.constant 0 : i32
      %dma_wait3A_414 = arith.constant 0 : i32
      %dma_wait3A_415 = tpu.memref_slice %arg6[%dma_wait3A_412, %dma_wait3A_413, %dma_wait3A_414] : memref<4x200x64xf32, #tpu.memory_space<vmem>> -> memref<1x200x64xf32, #tpu.memory_space<vmem>>
      %dma_wait3A_416 = tpu.memref_squeeze %dma_wait3A_415 : memref<1x200x64xf32, #tpu.memory_space<vmem>> -> memref<200x64xf32, #tpu.memory_space<vmem>>
      %dma_wait3A_417 = arith.constant 0 : i32
      %dma_wait3A_418 = arith.constant 0 : i32
      %dma_wait3A_419 = tpu.memref_slice %arg2[%dma_wait3A_417, %dma_wait3A_418] : memref<1000001x64xf32, #tpu.memory_space<hbm>> -> memref<200x64xf32, #tpu.memory_space<hbm>>
      %dma_wait3A_420 = arith.constant 0 : i32
      %dma_wait3A_421 = arith.constant 0 : i32
      %dma_wait3A_422 = tpu.memref_slice %arg6[%dma_wait3A_412, %dma_wait3A_420, %dma_wait3A_421] : memref<4x200x64xf32, #tpu.memory_space<vmem>> -> memref<1x200x64xf32, #tpu.memory_space<vmem>>
      %dma_wait3A_423 = tpu.memref_squeeze %dma_wait3A_422 : memref<1x200x64xf32, #tpu.memory_space<vmem>> -> memref<200x64xf32, #tpu.memory_space<vmem>>
      %dma_wait3A_424 = arith.constant 0 : i32
      %dma_wait3A_425 = arith.constant 0 : i32
      %dma_wait3A_426 = tpu.memref_slice %arg2[%dma_wait3A_424, %dma_wait3A_425] : memref<1000001x64xf32, #tpu.memory_space<hbm>> -> memref<200x64xf32, #tpu.memory_space<hbm>>
      tpu.wait_dma2 semaphore(%arg11 : memref<!tpu.dma_semaphore, #tpu.memory_space<semaphore_mem>>) src(%dma_wait3A_426 : memref<200x64xf32, #tpu.memory_space<hbm>>) dst(%dma_wait3A_423 : memref<200x64xf32, #tpu.memory_space<vmem>>)
      %broadcast_in_dim3A_427 = arith.constant 0.000000e+00 : f32
      %broadcast_in_dim3A_428 = vector.broadcast %broadcast_in_dim3A_427 : f32 to vector<16xf32>
      %scan3A_429 = arith.constant 0 : i32
      %scan3A_430 = arith.constant 25 : i32
      %scan3A_431 = arith.addi %scan3A_429, %scan3A_430 : i32
      %scan3A_432 = arith.constant 1 : i32
      %scan3A_433:4 = scf.for %scan3A_463 = %scan3A_429 to %scan3A_431 step %scan3A_432 iter_args(%scan3A_464 = %broadcast_in_dim3A_428, %scan3A_465 = %broadcast_in_dim3A_428, %scan3A_466 = %broadcast_in_dim3A_428, %scan3A_467 = %broadcast_in_dim3A_428) -> (vector<16xf32>, vector<16xf32>, vector<16xf32>, vector<16xf32>)  : i32 {
        %mul3A_468 = arith.constant 8 : i32
        %mul3A_469 = arith.muli %scan3A_463, %mul3A_468 : i32
        %add3A_470 = arith.constant 0 : i32
        %add3A_471 = arith.addi %mul3A_469, %add3A_470 : i32
        %get3A = arith.constant 3 : i32
        %get3A_472 = arith.index_cast %get3A : i32 to index
        %get3A_473 = arith.index_cast %add3A_471 : i32 to index
        %get3A_474 = arith.constant 0 : index
        %get3A_475 = tpu.vector_load %arg6[%get3A_472, %get3A_473, %get3A_474] {strides = array<i32>} : memref<4x200x64xf32, #tpu.memory_space<vmem>>, vector<1x1x16xf32>,
        %get3A_476 = vector.shape_cast %get3A_475 : vector<1x1x16xf32> to vector<16xf32>
        %add3A_477 = arith.addf %scan3A_464, %get3A_476 : vector<16xf32>
        %get3A_478 = arith.constant 3 : i32
        %get3A_479 = arith.index_cast %get3A_478 : i32 to index
        %get3A_480 = arith.index_cast %add3A_471 : i32 to index
        %get3A_481 = arith.constant 16 : index
        %get3A_482 = tpu.vector_load %arg6[%get3A_479, %get3A_480, %get3A_481] {strides = array<i32>} : memref<4x200x64xf32, #tpu.memory_space<vmem>>, vector<1x1x16xf32>,
        %get3A_483 = vector.shape_cast %get3A_482 : vector<1x1x16xf32> to vector<16xf32>
        %add3A_484 = arith.addf %scan3A_465, %get3A_483 : vector<16xf32>
        %get3A_485 = arith.constant 3 : i32
        %get3A_486 = arith.index_cast %get3A_485 : i32 to index
        %get3A_487 = arith.index_cast %add3A_471 : i32 to index
        %get3A_488 = arith.constant 32 : index
        %get3A_489 = tpu.vector_load %arg6[%get3A_486, %get3A_487, %get3A_488] {strides = array<i32>} : memref<4x200x64xf32, #tpu.memory_space<vmem>>, vector<1x1x16xf32>,
        %get3A_490 = vector.shape_cast %get3A_489 : vector<1x1x16xf32> to vector<16xf32>
        %add3A_491 = arith.addf %scan3A_466, %get3A_490 : vector<16xf32>
        %get3A_492 = arith.constant 3 : i32
        %get3A_493 = arith.index_cast %get3A_492 : i32 to index
        %get3A_494 = arith.index_cast %add3A_471 : i32 to index
        %get3A_495 = arith.constant 48 : index
        %get3A_496 = tpu.vector_load %arg6[%get3A_493, %get3A_494, %get3A_495] {strides = array<i32>} : memref<4x200x64xf32, #tpu.memory_space<vmem>>, vector<1x1x16xf32>,
        %get3A_497 = vector.shape_cast %get3A_496 : vector<1x1x16xf32> to vector<16xf32>
        %add3A_498 = arith.addf %scan3A_467, %get3A_497 : vector<16xf32>
        %mul3A_499 = arith.constant 8 : i32
        %mul3A_500 = arith.muli %scan3A_463, %mul3A_499 : i32
        %add3A_501 = arith.constant 1 : i32
        %add3A_502 = arith.addi %mul3A_500, %add3A_501 : i32
        %get3A_503 = arith.constant 3 : i32
        %get3A_504 = arith.index_cast %get3A_503 : i32 to index
        %get3A_505 = arith.index_cast %add3A_502 : i32 to index
        %get3A_506 = arith.constant 0 : index
        %get3A_507 = tpu.vector_load %arg6[%get3A_504, %get3A_505, %get3A_506] {strides = array<i32>} : memref<4x200x64xf32, #tpu.memory_space<vmem>>, vector<1x1x16xf32>,
        %get3A_508 = vector.shape_cast %get3A_507 : vector<1x1x16xf32> to vector<16xf32>
        %add3A_509 = arith.addf %add3A_477, %get3A_508 : vector<16xf32>
        %get3A_510 = arith.constant 3 : i32
        %get3A_511 = arith.index_cast %get3A_510 : i32 to index
        %get3A_512 = arith.index_cast %add3A_502 : i32 to index
        %get3A_513 = arith.constant 16 : index
        %get3A_514 = tpu.vector_load %arg6[%get3A_511, %get3A_512, %get3A_513] {strides = array<i32>} : memref<4x200x64xf32, #tpu.memory_space<vmem>>, vector<1x1x16xf32>,
        %get3A_515 = vector.shape_cast %get3A_514 : vector<1x1x16xf32> to vector<16xf32>
        %add3A_516 = arith.addf %add3A_484, %get3A_515 : vector<16xf32>
        %get3A_517 = arith.constant 3 : i32
        %get3A_518 = arith.index_cast %get3A_517 : i32 to index
        %get3A_519 = arith.index_cast %add3A_502 : i32 to index
        %get3A_520 = arith.constant 32 : index
        %get3A_521 = tpu.vector_load %arg6[%get3A_518, %get3A_519, %get3A_520] {strides = array<i32>} : memref<4x200x64xf32, #tpu.memory_space<vmem>>, vector<1x1x16xf32>,
        %get3A_522 = vector.shape_cast %get3A_521 : vector<1x1x16xf32> to vector<16xf32>
        %add3A_523 = arith.addf %add3A_491, %get3A_522 : vector<16xf32>
        %get3A_524 = arith.constant 3 : i32
        %get3A_525 = arith.index_cast %get3A_524 : i32 to index
        %get3A_526 = arith.index_cast %add3A_502 : i32 to index
        %get3A_527 = arith.constant 48 : index
        %get3A_528 = tpu.vector_load %arg6[%get3A_525, %get3A_526, %get3A_527] {strides = array<i32>} : memref<4x200x64xf32, #tpu.memory_space<vmem>>, vector<1x1x16xf32>,
        %get3A_529 = vector.shape_cast %get3A_528 : vector<1x1x16xf32> to vector<16xf32>
        %add3A_530 = arith.addf %add3A_498, %get3A_529 : vector<16xf32>
        %mul3A_531 = arith.constant 8 : i32
        %mul3A_532 = arith.muli %scan3A_463, %mul3A_531 : i32
        %add3A_533 = arith.constant 2 : i32
        %add3A_534 = arith.addi %mul3A_532, %add3A_533 : i32
        %get3A_535 = arith.constant 3 : i32
        %get3A_536 = arith.index_cast %get3A_535 : i32 to index
        %get3A_537 = arith.index_cast %add3A_534 : i32 to index
        %get3A_538 = arith.constant 0 : index
        %get3A_539 = tpu.vector_load %arg6[%get3A_536, %get3A_537, %get3A_538] {strides = array<i32>} : memref<4x200x64xf32, #tpu.memory_space<vmem>>, vector<1x1x16xf32>,
        %get3A_540 = vector.shape_cast %get3A_539 : vector<1x1x16xf32> to vector<16xf32>
        %add3A_541 = arith.addf %add3A_509, %get3A_540 : vector<16xf32>
        %get3A_542 = arith.constant 3 : i32
        %get3A_543 = arith.index_cast %get3A_542 : i32 to index
        %get3A_544 = arith.index_cast %add3A_534 : i32 to index
        %get3A_545 = arith.constant 16 : index
        %get3A_546 = tpu.vector_load %arg6[%get3A_543, %get3A_544, %get3A_545] {strides = array<i32>} : memref<4x200x64xf32, #tpu.memory_space<vmem>>, vector<1x1x16xf32>,
        %get3A_547 = vector.shape_cast %get3A_546 : vector<1x1x16xf32> to vector<16xf32>
        %add3A_548 = arith.addf %add3A_516, %get3A_547 : vector<16xf32>
        %get3A_549 = arith.constant 3 : i32
        %get3A_550 = arith.index_cast %get3A_549 : i32 to index
        %get3A_551 = arith.index_cast %add3A_534 : i32 to index
        %get3A_552 = arith.constant 32 : index
        %get3A_553 = tpu.vector_load %arg6[%get3A_550, %get3A_551, %get3A_552] {strides = array<i32>} : memref<4x200x64xf32, #tpu.memory_space<vmem>>, vector<1x1x16xf32>,
        %get3A_554 = vector.shape_cast %get3A_553 : vector<1x1x16xf32> to vector<16xf32>
        %add3A_555 = arith.addf %add3A_523, %get3A_554 : vector<16xf32>
        %get3A_556 = arith.constant 3 : i32
        %get3A_557 = arith.index_cast %get3A_556 : i32 to index
        %get3A_558 = arith.index_cast %add3A_534 : i32 to index
        %get3A_559 = arith.constant 48 : index
        %get3A_560 = tpu.vector_load %arg6[%get3A_557, %get3A_558, %get3A_559] {strides = array<i32>} : memref<4x200x64xf32, #tpu.memory_space<vmem>>, vector<1x1x16xf32>,
        %get3A_561 = vector.shape_cast %get3A_560 : vector<1x1x16xf32> to vector<16xf32>
        %add3A_562 = arith.addf %add3A_530, %get3A_561 : vector<16xf32>
        %mul3A_563 = arith.constant 8 : i32
        %mul3A_564 = arith.muli %scan3A_463, %mul3A_563 : i32
        %add3A_565 = arith.constant 3 : i32
        %add3A_566 = arith.addi %mul3A_564, %add3A_565 : i32
        %get3A_567 = arith.constant 3 : i32
        %get3A_568 = arith.index_cast %get3A_567 : i32 to index
        %get3A_569 = arith.index_cast %add3A_566 : i32 to index
        %get3A_570 = arith.constant 0 : index
        %get3A_571 = tpu.vector_load %arg6[%get3A_568, %get3A_569, %get3A_570] {strides = array<i32>} : memref<4x200x64xf32, #tpu.memory_space<vmem>>, vector<1x1x16xf32>,
        %get3A_572 = vector.shape_cast %get3A_571 : vector<1x1x16xf32> to vector<16xf32>
        %add3A_573 = arith.addf %add3A_541, %get3A_572 : vector<16xf32>
        %get3A_574 = arith.constant 3 : i32
        %get3A_575 = arith.index_cast %get3A_574 : i32 to index
        %get3A_576 = arith.index_cast %add3A_566 : i32 to index
        %get3A_577 = arith.constant 16 : index
        %get3A_578 = tpu.vector_load %arg6[%get3A_575, %get3A_576, %get3A_577] {strides = array<i32>} : memref<4x200x64xf32, #tpu.memory_space<vmem>>, vector<1x1x16xf32>,
        %get3A_579 = vector.shape_cast %get3A_578 : vector<1x1x16xf32> to vector<16xf32>
        %add3A_580 = arith.addf %add3A_548, %get3A_579 : vector<16xf32>
        %get3A_581 = arith.constant 3 : i32
        %get3A_582 = arith.index_cast %get3A_581 : i32 to index
        %get3A_583 = arith.index_cast %add3A_566 : i32 to index
        %get3A_584 = arith.constant 32 : index
        %get3A_585 = tpu.vector_load %arg6[%get3A_582, %get3A_583, %get3A_584] {strides = array<i32>} : memref<4x200x64xf32, #tpu.memory_space<vmem>>, vector<1x1x16xf32>,
        %get3A_586 = vector.shape_cast %get3A_585 : vector<1x1x16xf32> to vector<16xf32>
        %add3A_587 = arith.addf %add3A_555, %get3A_586 : vector<16xf32>
        %get3A_588 = arith.constant 3 : i32
        %get3A_589 = arith.index_cast %get3A_588 : i32 to index
        %get3A_590 = arith.index_cast %add3A_566 : i32 to index
        %get3A_591 = arith.constant 48 : index
        %get3A_592 = tpu.vector_load %arg6[%get3A_589, %get3A_590, %get3A_591] {strides = array<i32>} : memref<4x200x64xf32, #tpu.memory_space<vmem>>, vector<1x1x16xf32>,
        %get3A_593 = vector.shape_cast %get3A_592 : vector<1x1x16xf32> to vector<16xf32>
        %add3A_594 = arith.addf %add3A_562, %get3A_593 : vector<16xf32>
        %mul3A_595 = arith.constant 8 : i32
        %mul3A_596 = arith.muli %scan3A_463, %mul3A_595 : i32
        %add3A_597 = arith.constant 4 : i32
        %add3A_598 = arith.addi %mul3A_596, %add3A_597 : i32
        %get3A_599 = arith.constant 3 : i32
        %get3A_600 = arith.index_cast %get3A_599 : i32 to index
        %get3A_601 = arith.index_cast %add3A_598 : i32 to index
        %get3A_602 = arith.constant 0 : index
        %get3A_603 = tpu.vector_load %arg6[%get3A_600, %get3A_601, %get3A_602] {strides = array<i32>} : memref<4x200x64xf32, #tpu.memory_space<vmem>>, vector<1x1x16xf32>,
        %get3A_604 = vector.shape_cast %get3A_603 : vector<1x1x16xf32> to vector<16xf32>
        %add3A_605 = arith.addf %add3A_573, %get3A_604 : vector<16xf32>
        %get3A_606 = arith.constant 3 : i32
        %get3A_607 = arith.index_cast %get3A_606 : i32 to index
        %get3A_608 = arith.index_cast %add3A_598 : i32 to index
        %get3A_609 = arith.constant 16 : index
        %get3A_610 = tpu.vector_load %arg6[%get3A_607, %get3A_608, %get3A_609] {strides = array<i32>} : memref<4x200x64xf32, #tpu.memory_space<vmem>>, vector<1x1x16xf32>,
        %get3A_611 = vector.shape_cast %get3A_610 : vector<1x1x16xf32> to vector<16xf32>
        %add3A_612 = arith.addf %add3A_580, %get3A_611 : vector<16xf32>
        %get3A_613 = arith.constant 3 : i32
        %get3A_614 = arith.index_cast %get3A_613 : i32 to index
        %get3A_615 = arith.index_cast %add3A_598 : i32 to index
        %get3A_616 = arith.constant 32 : index
        %get3A_617 = tpu.vector_load %arg6[%get3A_614, %get3A_615, %get3A_616] {strides = array<i32>} : memref<4x200x64xf32, #tpu.memory_space<vmem>>, vector<1x1x16xf32>,
        %get3A_618 = vector.shape_cast %get3A_617 : vector<1x1x16xf32> to vector<16xf32>
        %add3A_619 = arith.addf %add3A_587, %get3A_618 : vector<16xf32>
        %get3A_620 = arith.constant 3 : i32
        %get3A_621 = arith.index_cast %get3A_620 : i32 to index
        %get3A_622 = arith.index_cast %add3A_598 : i32 to index
        %get3A_623 = arith.constant 48 : index
        %get3A_624 = tpu.vector_load %arg6[%get3A_621, %get3A_622, %get3A_623] {strides = array<i32>} : memref<4x200x64xf32, #tpu.memory_space<vmem>>, vector<1x1x16xf32>,
        %get3A_625 = vector.shape_cast %get3A_624 : vector<1x1x16xf32> to vector<16xf32>
        %add3A_626 = arith.addf %add3A_594, %get3A_625 : vector<16xf32>
        %mul3A_627 = arith.constant 8 : i32
        %mul3A_628 = arith.muli %scan3A_463, %mul3A_627 : i32
        %add3A_629 = arith.constant 5 : i32
        %add3A_630 = arith.addi %mul3A_628, %add3A_629 : i32
        %get3A_631 = arith.constant 3 : i32
        %get3A_632 = arith.index_cast %get3A_631 : i32 to index
        %get3A_633 = arith.index_cast %add3A_630 : i32 to index
        %get3A_634 = arith.constant 0 : index
        %get3A_635 = tpu.vector_load %arg6[%get3A_632, %get3A_633, %get3A_634] {strides = array<i32>} : memref<4x200x64xf32, #tpu.memory_space<vmem>>, vector<1x1x16xf32>,
        %get3A_636 = vector.shape_cast %get3A_635 : vector<1x1x16xf32> to vector<16xf32>
        %add3A_637 = arith.addf %add3A_605, %get3A_636 : vector<16xf32>
        %get3A_638 = arith.constant 3 : i32
        %get3A_639 = arith.index_cast %get3A_638 : i32 to index
        %get3A_640 = arith.index_cast %add3A_630 : i32 to index
        %get3A_641 = arith.constant 16 : index
        %get3A_642 = tpu.vector_load %arg6[%get3A_639, %get3A_640, %get3A_641] {strides = array<i32>} : memref<4x200x64xf32, #tpu.memory_space<vmem>>, vector<1x1x16xf32>,
        %get3A_643 = vector.shape_cast %get3A_642 : vector<1x1x16xf32> to vector<16xf32>
        %add3A_644 = arith.addf %add3A_612, %get3A_643 : vector<16xf32>
        %get3A_645 = arith.constant 3 : i32
        %get3A_646 = arith.index_cast %get3A_645 : i32 to index
        %get3A_647 = arith.index_cast %add3A_630 : i32 to index
        %get3A_648 = arith.constant 32 : index
        %get3A_649 = tpu.vector_load %arg6[%get3A_646, %get3A_647, %get3A_648] {strides = array<i32>} : memref<4x200x64xf32, #tpu.memory_space<vmem>>, vector<1x1x16xf32>,
        %get3A_650 = vector.shape_cast %get3A_649 : vector<1x1x16xf32> to vector<16xf32>
        %add3A_651 = arith.addf %add3A_619, %get3A_650 : vector<16xf32>
        %get3A_652 = arith.constant 3 : i32
        %get3A_653 = arith.index_cast %get3A_652 : i32 to index
        %get3A_654 = arith.index_cast %add3A_630 : i32 to index
        %get3A_655 = arith.constant 48 : index
        %get3A_656 = tpu.vector_load %arg6[%get3A_653, %get3A_654, %get3A_655] {strides = array<i32>} : memref<4x200x64xf32, #tpu.memory_space<vmem>>, vector<1x1x16xf32>,
        %get3A_657 = vector.shape_cast %get3A_656 : vector<1x1x16xf32> to vector<16xf32>
        %add3A_658 = arith.addf %add3A_626, %get3A_657 : vector<16xf32>
        %mul3A_659 = arith.constant 8 : i32
        %mul3A_660 = arith.muli %scan3A_463, %mul3A_659 : i32
        %add3A_661 = arith.constant 6 : i32
        %add3A_662 = arith.addi %mul3A_660, %add3A_661 : i32
        %get3A_663 = arith.constant 3 : i32
        %get3A_664 = arith.index_cast %get3A_663 : i32 to index
        %get3A_665 = arith.index_cast %add3A_662 : i32 to index
        %get3A_666 = arith.constant 0 : index
        %get3A_667 = tpu.vector_load %arg6[%get3A_664, %get3A_665, %get3A_666] {strides = array<i32>} : memref<4x200x64xf32, #tpu.memory_space<vmem>>, vector<1x1x16xf32>,
        %get3A_668 = vector.shape_cast %get3A_667 : vector<1x1x16xf32> to vector<16xf32>
        %add3A_669 = arith.addf %add3A_637, %get3A_668 : vector<16xf32>
        %get3A_670 = arith.constant 3 : i32
        %get3A_671 = arith.index_cast %get3A_670 : i32 to index
        %get3A_672 = arith.index_cast %add3A_662 : i32 to index
        %get3A_673 = arith.constant 16 : index
        %get3A_674 = tpu.vector_load %arg6[%get3A_671, %get3A_672, %get3A_673] {strides = array<i32>} : memref<4x200x64xf32, #tpu.memory_space<vmem>>, vector<1x1x16xf32>,
        %get3A_675 = vector.shape_cast %get3A_674 : vector<1x1x16xf32> to vector<16xf32>
        %add3A_676 = arith.addf %add3A_644, %get3A_675 : vector<16xf32>
        %get3A_677 = arith.constant 3 : i32
        %get3A_678 = arith.index_cast %get3A_677 : i32 to index
        %get3A_679 = arith.index_cast %add3A_662 : i32 to index
        %get3A_680 = arith.constant 32 : index
        %get3A_681 = tpu.vector_load %arg6[%get3A_678, %get3A_679, %get3A_680] {strides = array<i32>} : memref<4x200x64xf32, #tpu.memory_space<vmem>>, vector<1x1x16xf32>,
        %get3A_682 = vector.shape_cast %get3A_681 : vector<1x1x16xf32> to vector<16xf32>
        %add3A_683 = arith.addf %add3A_651, %get3A_682 : vector<16xf32>
        %get3A_684 = arith.constant 3 : i32
        %get3A_685 = arith.index_cast %get3A_684 : i32 to index
        %get3A_686 = arith.index_cast %add3A_662 : i32 to index
        %get3A_687 = arith.constant 48 : index
        %get3A_688 = tpu.vector_load %arg6[%get3A_685, %get3A_686, %get3A_687] {strides = array<i32>} : memref<4x200x64xf32, #tpu.memory_space<vmem>>, vector<1x1x16xf32>,
        %get3A_689 = vector.shape_cast %get3A_688 : vector<1x1x16xf32> to vector<16xf32>
        %add3A_690 = arith.addf %add3A_658, %get3A_689 : vector<16xf32>
        %mul3A_691 = arith.constant 8 : i32
        %mul3A_692 = arith.muli %scan3A_463, %mul3A_691 : i32
        %add3A_693 = arith.constant 7 : i32
        %add3A_694 = arith.addi %mul3A_692, %add3A_693 : i32
        %get3A_695 = arith.constant 3 : i32
        %get3A_696 = arith.index_cast %get3A_695 : i32 to index
        %get3A_697 = arith.index_cast %add3A_694 : i32 to index
        %get3A_698 = arith.constant 0 : index
        %get3A_699 = tpu.vector_load %arg6[%get3A_696, %get3A_697, %get3A_698] {strides = array<i32>} : memref<4x200x64xf32, #tpu.memory_space<vmem>>, vector<1x1x16xf32>,
        %get3A_700 = vector.shape_cast %get3A_699 : vector<1x1x16xf32> to vector<16xf32>
        %add3A_701 = arith.addf %add3A_669, %get3A_700 : vector<16xf32>
        %get3A_702 = arith.constant 3 : i32
        %get3A_703 = arith.index_cast %get3A_702 : i32 to index
        %get3A_704 = arith.index_cast %add3A_694 : i32 to index
        %get3A_705 = arith.constant 16 : index
        %get3A_706 = tpu.vector_load %arg6[%get3A_703, %get3A_704, %get3A_705] {strides = array<i32>} : memref<4x200x64xf32, #tpu.memory_space<vmem>>, vector<1x1x16xf32>,
        %get3A_707 = vector.shape_cast %get3A_706 : vector<1x1x16xf32> to vector<16xf32>
        %add3A_708 = arith.addf %add3A_676, %get3A_707 : vector<16xf32>
        %get3A_709 = arith.constant 3 : i32
        %get3A_710 = arith.index_cast %get3A_709 : i32 to index
        %get3A_711 = arith.index_cast %add3A_694 : i32 to index
        %get3A_712 = arith.constant 32 : index
        %get3A_713 = tpu.vector_load %arg6[%get3A_710, %get3A_711, %get3A_712] {strides = array<i32>} : memref<4x200x64xf32, #tpu.memory_space<vmem>>, vector<1x1x16xf32>,
        %get3A_714 = vector.shape_cast %get3A_713 : vector<1x1x16xf32> to vector<16xf32>
        %add3A_715 = arith.addf %add3A_683, %get3A_714 : vector<16xf32>
        %get3A_716 = arith.constant 3 : i32
        %get3A_717 = arith.index_cast %get3A_716 : i32 to index
        %get3A_718 = arith.index_cast %add3A_694 : i32 to index
        %get3A_719 = arith.constant 48 : index
        %get3A_720 = tpu.vector_load %arg6[%get3A_717, %get3A_718, %get3A_719] {strides = array<i32>} : memref<4x200x64xf32, #tpu.memory_space<vmem>>, vector<1x1x16xf32>,
        %get3A_721 = vector.shape_cast %get3A_720 : vector<1x1x16xf32> to vector<16xf32>
        %add3A_722 = arith.addf %add3A_690, %get3A_721 : vector<16xf32>
        scf.yield %add3A_701, %add3A_708, %add3A_715, %add3A_722 : vector<16xf32>, vector<16xf32>, vector<16xf32>, vector<16xf32>
      }
      %scan3A_434 = arith.constant 25 : i32
      %swap3A_435 = arith.index_cast %add3A_411 : i32 to index
      %swap3A_436 = arith.constant 0 : index
      %swap3A_437 = tpu.vector_load %arg7[%swap3A_435, %swap3A_436] {strides = array<i32>} : memref<128x64xf32, #tpu.memory_space<vmem>>, vector<1x16xf32>,
      %swap3A_438 = vector.shape_cast %swap3A_437 : vector<1x16xf32> to vector<16xf32>
      %swap3A_439 = vector.shape_cast %scan3A_433#0 : vector<16xf32> to vector<1x16xf32>
      tpu.vector_store %arg7[%swap3A_435, %swap3A_436], %swap3A_439 {strides = array<i32>} : memref<128x64xf32, #tpu.memory_space<vmem>>, vector<1x16xf32>,
      %swap3A_440 = arith.index_cast %add3A_411 : i32 to index
      %swap3A_441 = arith.constant 16 : index
      %swap3A_442 = tpu.vector_load %arg7[%swap3A_440, %swap3A_441] {strides = array<i32>} : memref<128x64xf32, #tpu.memory_space<vmem>>, vector<1x16xf32>,
      %swap3A_443 = vector.shape_cast %swap3A_442 : vector<1x16xf32> to vector<16xf32>
      %swap3A_444 = vector.shape_cast %scan3A_433#1 : vector<16xf32> to vector<1x16xf32>
      tpu.vector_store %arg7[%swap3A_440, %swap3A_441], %swap3A_444 {strides = array<i32>} : memref<128x64xf32, #tpu.memory_space<vmem>>, vector<1x16xf32>,
      %swap3A_445 = arith.index_cast %add3A_411 : i32 to index
      %swap3A_446 = arith.constant 32 : index
      %swap3A_447 = tpu.vector_load %arg7[%swap3A_445, %swap3A_446] {strides = array<i32>} : memref<128x64xf32, #tpu.memory_space<vmem>>, vector<1x16xf32>,
      %swap3A_448 = vector.shape_cast %swap3A_447 : vector<1x16xf32> to vector<16xf32>
      %swap3A_449 = vector.shape_cast %scan3A_433#2 : vector<16xf32> to vector<1x16xf32>
      tpu.vector_store %arg7[%swap3A_445, %swap3A_446], %swap3A_449 {strides = array<i32>} : memref<128x64xf32, #tpu.memory_space<vmem>>, vector<1x16xf32>,
      %swap3A_450 = arith.index_cast %add3A_411 : i32 to index
      %swap3A_451 = arith.constant 48 : index
      %swap3A_452 = tpu.vector_load %arg7[%swap3A_450, %swap3A_451] {strides = array<i32>} : memref<128x64xf32, #tpu.memory_space<vmem>>, vector<1x16xf32>,
      %swap3A_453 = vector.shape_cast %swap3A_452 : vector<1x16xf32> to vector<16xf32>
      %swap3A_454 = vector.shape_cast %scan3A_433#3 : vector<16xf32> to vector<1x16xf32>
      tpu.vector_store %arg7[%swap3A_450, %swap3A_451], %swap3A_454 {strides = array<i32>} : memref<128x64xf32, #tpu.memory_space<vmem>>, vector<1x16xf32>,
      %add3A_455 = arith.constant 4 : i32
      %add3A_456 = arith.addi %add3A_411, %add3A_455 : i32
      %lt3A_457 = arith.constant 128 : i32
      %lt3A_458 = arith.cmpi slt, %add3A_456, %lt3A_457 : i32
      %convert_element_type3A_459 = arith.extui %lt3A_458 : i1 to i32
      %cond3A_460 = arith.constant 0 : i32
      %cond3A_461 = arith.cmpi ne, %convert_element_type3A_459, %cond3A_460 : i32
      scf.if %cond3A_461 {
        %dma_start3A_463 = arith.constant 3 : i32
        %dma_start3A_464 = arith.constant 0 : i32
        %dma_start3A_465 = arith.constant 0 : i32
        %dma_start3A_466 = tpu.memref_slice %arg6[%dma_start3A_463, %dma_start3A_464, %dma_start3A_465] : memref<4x200x64xf32, #tpu.memory_space<vmem>> -> memref<1x40x64xf32, #tpu.memory_space<vmem>>
        %dma_start3A_467 = tpu.memref_squeeze %dma_start3A_466 : memref<1x40x64xf32, #tpu.memory_space<vmem>> -> memref<40x64xf32, #tpu.memory_space<vmem>>
        %dma_start3A_468 = arith.constant 0 : i32
        %dma_start3A_469 = tpu.memref_slice %arg5[%add3A_456, %dma_start3A_468] : memref<128x200xi32, #tpu.memory_space<vmem>> -> memref<1x40xi32, #tpu.memory_space<vmem>>
        %dma_start3A_470 = tpu.memref_squeeze %dma_start3A_469 : memref<1x40xi32, #tpu.memory_space<vmem>> -> memref<40xi32, #tpu.memory_space<vmem>>
        %dma_start3A_471 = arith.constant 0 : i32
        %dma_start3A_472 = arith.constant 0 : i32
        %dma_start3A_473 = tpu.memref_slice %arg2[%dma_start3A_471, %dma_start3A_472] : memref<1000001x64xf32, #tpu.memory_space<hbm>> -> memref<1000001x64xf32, #tpu.memory_space<hbm>>
        tpu.enqueue_indirect_dma source(%dma_start3A_473 : memref<1000001x64xf32, #tpu.memory_space<hbm>>) target(%dma_start3A_467 : memref<40x64xf32, #tpu.memory_space<vmem>>) offsets(%dma_start3A_470 : memref<40xi32, #tpu.memory_space<vmem>>) semaphore(%arg11 : memref<!tpu.dma_semaphore, #tpu.memory_space<semaphore_mem>>)
        %dma_start3A_474 = arith.constant 3 : i32
        %dma_start3A_475 = arith.constant 40 : i32
        %dma_start3A_476 = arith.constant 0 : i32
        %dma_start3A_477 = tpu.memref_slice %arg6[%dma_start3A_474, %dma_start3A_475, %dma_start3A_476] : memref<4x200x64xf32, #tpu.memory_space<vmem>> -> memref<1x40x64xf32, #tpu.memory_space<vmem>>
        %dma_start3A_478 = tpu.memref_squeeze %dma_start3A_477 : memref<1x40x64xf32, #tpu.memory_space<vmem>> -> memref<40x64xf32, #tpu.memory_space<vmem>>
        %dma_start3A_479 = arith.constant 40 : i32
        %dma_start3A_480 = tpu.memref_slice %arg5[%add3A_456, %dma_start3A_479] : memref<128x200xi32, #tpu.memory_space<vmem>> -> memref<1x40xi32, #tpu.memory_space<vmem>>
        %dma_start3A_481 = tpu.memref_squeeze %dma_start3A_480 : memref<1x40xi32, #tpu.memory_space<vmem>> -> memref<40xi32, #tpu.memory_space<vmem>>
        %dma_start3A_482 = arith.constant 0 : i32
        %dma_start3A_483 = arith.constant 0 : i32
        %dma_start3A_484 = tpu.memref_slice %arg2[%dma_start3A_482, %dma_start3A_483] : memref<1000001x64xf32, #tpu.memory_space<hbm>> -> memref<1000001x64xf32, #tpu.memory_space<hbm>>
        tpu.enqueue_indirect_dma source(%dma_start3A_484 : memref<1000001x64xf32, #tpu.memory_space<hbm>>) target(%dma_start3A_478 : memref<40x64xf32, #tpu.memory_space<vmem>>) offsets(%dma_start3A_481 : memref<40xi32, #tpu.memory_space<vmem>>) semaphore(%arg11 : memref<!tpu.dma_semaphore, #tpu.memory_space<semaphore_mem>>)
        %dma_start3A_485 = arith.constant 3 : i32
        %dma_start3A_486 = arith.constant 80 : i32
        %dma_start3A_487 = arith.constant 0 : i32
        %dma_start3A_488 = tpu.memref_slice %arg6[%dma_start3A_485, %dma_start3A_486, %dma_start3A_487] : memref<4x200x64xf32, #tpu.memory_space<vmem>> -> memref<1x40x64xf32, #tpu.memory_space<vmem>>
        %dma_start3A_489 = tpu.memref_squeeze %dma_start3A_488 : memref<1x40x64xf32, #tpu.memory_space<vmem>> -> memref<40x64xf32, #tpu.memory_space<vmem>>
        %dma_start3A_490 = arith.constant 80 : i32
        %dma_start3A_491 = tpu.memref_slice %arg5[%add3A_456, %dma_start3A_490] : memref<128x200xi32, #tpu.memory_space<vmem>> -> memref<1x40xi32, #tpu.memory_space<vmem>>
        %dma_start3A_492 = tpu.memref_squeeze %dma_start3A_491 : memref<1x40xi32, #tpu.memory_space<vmem>> -> memref<40xi32, #tpu.memory_space<vmem>>
        %dma_start3A_493 = arith.constant 0 : i32
        %dma_start3A_494 = arith.constant 0 : i32
        %dma_start3A_495 = tpu.memref_slice %arg2[%dma_start3A_493, %dma_start3A_494] : memref<1000001x64xf32, #tpu.memory_space<hbm>> -> memref<1000001x64xf32, #tpu.memory_space<hbm>>
        tpu.enqueue_indirect_dma source(%dma_start3A_495 : memref<1000001x64xf32, #tpu.memory_space<hbm>>) target(%dma_start3A_489 : memref<40x64xf32, #tpu.memory_space<vmem>>) offsets(%dma_start3A_492 : memref<40xi32, #tpu.memory_space<vmem>>) semaphore(%arg11 : memref<!tpu.dma_semaphore, #tpu.memory_space<semaphore_mem>>)
        %dma_start3A_496 = arith.constant 3 : i32
        %dma_start3A_497 = arith.constant 120 : i32
        %dma_start3A_498 = arith.constant 0 : i32
        %dma_start3A_499 = tpu.memref_slice %arg6[%dma_start3A_496, %dma_start3A_497, %dma_start3A_498] : memref<4x200x64xf32, #tpu.memory_space<vmem>> -> memref<1x40x64xf32, #tpu.memory_space<vmem>>
        %dma_start3A_500 = tpu.memref_squeeze %dma_start3A_499 : memref<1x40x64xf32, #tpu.memory_space<vmem>> -> memref<40x64xf32, #tpu.memory_space<vmem>>
        %dma_start3A_501 = arith.constant 120 : i32
        %dma_start3A_502 = tpu.memref_slice %arg5[%add3A_456, %dma_start3A_501] : memref<128x200xi32, #tpu.memory_space<vmem>> -> memref<1x40xi32, #tpu.memory_space<vmem>>
        %dma_start3A_503 = tpu.memref_squeeze %dma_start3A_502 : memref<1x40xi32, #tpu.memory_space<vmem>> -> memref<40xi32, #tpu.memory_space<vmem>>
        %dma_start3A_504 = arith.constant 0 : i32
        %dma_start3A_505 = arith.constant 0 : i32
        %dma_start3A_506 = tpu.memref_slice %arg2[%dma_start3A_504, %dma_start3A_505] : memref<1000001x64xf32, #tpu.memory_space<hbm>> -> memref<1000001x64xf32, #tpu.memory_space<hbm>>
        tpu.enqueue_indirect_dma source(%dma_start3A_506 : memref<1000001x64xf32, #tpu.memory_space<hbm>>) target(%dma_start3A_500 : memref<40x64xf32, #tpu.memory_space<vmem>>) offsets(%dma_start3A_503 : memref<40xi32, #tpu.memory_space<vmem>>) semaphore(%arg11 : memref<!tpu.dma_semaphore, #tpu.memory_space<semaphore_mem>>)
        %dma_start3A_507 = arith.constant 3 : i32
        %dma_start3A_508 = arith.constant 160 : i32
        %dma_start3A_509 = arith.constant 0 : i32
        %dma_start3A_510 = tpu.memref_slice %arg6[%dma_start3A_507, %dma_start3A_508, %dma_start3A_509] : memref<4x200x64xf32, #tpu.memory_space<vmem>> -> memref<1x40x64xf32, #tpu.memory_space<vmem>>
        %dma_start3A_511 = tpu.memref_squeeze %dma_start3A_510 : memref<1x40x64xf32, #tpu.memory_space<vmem>> -> memref<40x64xf32, #tpu.memory_space<vmem>>
        %dma_start3A_512 = arith.constant 160 : i32
        %dma_start3A_513 = tpu.memref_slice %arg5[%add3A_456, %dma_start3A_512] : memref<128x200xi32, #tpu.memory_space<vmem>> -> memref<1x40xi32, #tpu.memory_space<vmem>>
        %dma_start3A_514 = tpu.memref_squeeze %dma_start3A_513 : memref<1x40xi32, #tpu.memory_space<vmem>> -> memref<40xi32, #tpu.memory_space<vmem>>
        %dma_start3A_515 = arith.constant 0 : i32
        %dma_start3A_516 = arith.constant 0 : i32
        %dma_start3A_517 = tpu.memref_slice %arg2[%dma_start3A_515, %dma_start3A_516] : memref<1000001x64xf32, #tpu.memory_space<hbm>> -> memref<1000001x64xf32, #tpu.memory_space<hbm>>
        tpu.enqueue_indirect_dma source(%dma_start3A_517 : memref<1000001x64xf32, #tpu.memory_space<hbm>>) target(%dma_start3A_511 : memref<40x64xf32, #tpu.memory_space<vmem>>) offsets(%dma_start3A_514 : memref<40xi32, #tpu.memory_space<vmem>>) semaphore(%arg11 : memref<!tpu.dma_semaphore, #tpu.memory_space<semaphore_mem>>)
      } else {
      }
      %scan3A_462 = arith.constant 0 : i32
      scf.yield %scan3A_462 : i32
    }
    %scan3A_247 = arith.constant 32 : i32
    %mul3A_248 = arith.constant 128 : i32
    %mul3A_249 = arith.muli %add3A, %mul3A_248 : i32
    "tpu.region"() ({
      %run_scoped3A = tpu.sem_alloc : memref<!tpu.dma_semaphore, #tpu.memory_space<semaphore_mem>>
      %dma_start3A_250 = arith.constant 0 : i32
      %dma_start3A_251 = tpu.memref_slice %arg4[%mul3A_249, %dma_start3A_250] : memref<4096x64xf32, #tpu.memory_space<hbm>> -> memref<128x64xf32, #tpu.memory_space<hbm>>
      %dma_start3A_252 = arith.constant 0 : i32
      %dma_start3A_253 = tpu.memref_slice %arg4[%mul3A_249, %dma_start3A_252] : memref<4096x64xf32, #tpu.memory_space<hbm>> -> memref<128x64xf32, #tpu.memory_space<hbm>>
      tpu.enqueue_dma source(%arg7 : memref<128x64xf32, #tpu.memory_space<vmem>>) target(%dma_start3A_253 : memref<128x64xf32, #tpu.memory_space<hbm>>) target_semaphore(%run_scoped3A : memref<!tpu.dma_semaphore, #tpu.memory_space<semaphore_mem>>)
      %dma_wait3A = arith.constant 0 : i32
      %dma_wait3A_254 = tpu.memref_slice %arg4[%mul3A_249, %dma_wait3A] : memref<4096x64xf32, #tpu.memory_space<hbm>> -> memref<128x64xf32, #tpu.memory_space<hbm>>
      %dma_wait3A_255 = arith.constant 0 : i32
      %dma_wait3A_256 = tpu.memref_slice %arg4[%mul3A_249, %dma_wait3A_255] : memref<4096x64xf32, #tpu.memory_space<hbm>> -> memref<128x64xf32, #tpu.memory_space<hbm>>
      tpu.wait_dma2 semaphore(%run_scoped3A : memref<!tpu.dma_semaphore, #tpu.memory_space<semaphore_mem>>) src(%arg7 : memref<128x64xf32, #tpu.memory_space<vmem>>) dst(%dma_wait3A_256 : memref<128x64xf32, #tpu.memory_space<hbm>>)
      tpu.yield
    }) : () -> ()
    return
  }
}

</mosaic_0001>

<sc_bundles>
// kernel: _pooled_lookup.3.cloned.1.call-start
scs
__scs_entry_jumppad:
0x0: {  	(pc) =	sbr.rel $0x88, $3  }
0x1: {  	(tag) =	ssettag $0x0;
	lr =	simm.s32 $0x1  }
0x2: {  	[smem:$0x3F9F] =	sst lr;
	_ =	strace $0xD0000000  }
0x3: {  	_ = 	snop  }
0x4: {  	_ = 	snop  }
0x5: {  	_ = 	snop  }
0x6: {  	_ = 	snop  }
0x7: {  	_ = 	snop  }
__scs_overlays_trampoline_lowered:
0x8: {  	[smem:$0x3FAE] =	sst s0  }
0x9: {  	[smem:$0x3FAF] =	sst s1  }
0xa: {  	[smem:$0x3FB0] =	sst s2  }
0xb: {  	[smem:$0x3FB1] =	sst s3  }
0xc: {  	[smem:$0x3FB2] =	sst s4  }
0xd: {  	[smem:$0x3FB3] =	sst s5  }
0xe: {  	[smem:$0x3FB4] =	sst s6  }
0xf: {  	[smem:$0x3FB5] =	sst s7  }
0x10: {  	[smem:$0x3FB6] =	sst s8  }
0x11: {  	[smem:$0x3FB7] =	sst s9;
	s0 =	simm.s32 @!p0 $0x0  }
0x12: {  	s1 =	sld [smem:$0x3F9D];
	s0 =	simm.s32 @p0 $0x1  }
0x13: {  	[smem:$0x3FB8] =	sst s0;
	s0 =	simm.s32 @!p1 $0x0  }
0x14: {  	s2 =	sld [smem:$0x3F9C];
	s0 =	simm.s32 @p1 $0x1  }
0x15: {  	[smem:$0x3FB9] =	sst s0;
	s0 =	simm.s32 @!p2 $0x0  }
0x16: {  	s3 =	sld [smem:$0x3FDB];
	s0 =	simm.s32 @p2 $0x1  }
0x17: {  	s4 =	simm.s32 $0x1BF5;
	[smem:$0x3FBB] =	sst s0  }
0x18: {  	s0 =	sld [smem:$0x3F9E];
	_ =	swait.ge [sflag:s4], $0x0  }
0x19: {  	s7 =	sld [smem:$0x3F9F]  }
0x1a: {  	s8 =	sadd.s32 $0xFFFFE003, lr  }
0x1b: {  	s9 =	sadd.s32 $0xFFFFFEF7, lr;
	s5 =	simm.s32 $0xFFFFFFFF;
	p2 =	slt.u32 s8, $0xFFFFF086  }
0x1c: {  	p1 =	slt.u32 s9, $0xF7A;
	s5 =	simm.s32 @!p2 $0x0  }
0x1d: {  	s5 =	simm.s32 @p1 $0x1;
	p0 =	seq.s32 s7, s2  }
0x1e: {  	s7 =	smul.u32 @!p0 $0xF7A, s2;
	p2 =	seq.s32 @!p0 s5, $0x0  }
0x1f: {  	s9 =	smul.u32 $0xF7A, s1;
	s8 =	simm.s32 @!p0 $0x1BF5;
	p2 =	por !p2, p0  }
0x20: {  	[sflag:s8] =	ssyncset.s32 @!p0 $0xFFFFF086;
	s6 =	sadd.s32 @!p0 s3, s7;
	s7 =	simm.s32 @!p0 $0x108  }
0x21: {  	s3 =	sadd.s32 s3, s9;
	s6 =	sadd.s32 @!p0 $0x88, s6;
	s7 =	simm.s32 @p2 $0x1082  }
0x22: {  	[simem:s7], [sflag:s8] =	dma.local @!p0 [hbm:s6], $0xF7A  }
0x23: {  	s9 =	sor.u32 $0xD0000000, s2;
	s6 =	simm.s32 $0x108;
	_ =	swait.ge @!p0 [sflag:s8], $0x0  }
0x24: {  	s3 =	sadd.s32 $0x88, s3;
	s6 =	simm.s32 @!p1 $0x1082;
	[sflag:s4] =	ssyncset.s32 $0xFFFFF086  }
0x25: {  	[simem:s6], [sflag:s4] =	dma.local [hbm:s3], $0xF7A  }
0x26: {  	[smem:$0x3F9F] =	sst s1;
	(tag) =	ssettag s2;
	_ =	strace s9  }
0x27: {  	s1 =	sld [smem:$0x3FAF]  }
0x28: {  	s2 =	sld [smem:$0x3FB0]  }
0x29: {  	s4 =	sld [smem:$0x3FB2]  }
0x2a: {  	p0 =	seq.s32 s5, $0x0;
	s5 =	sld [smem:$0x3FB3]  }
0x2b: {  	s6 =	sld [smem:$0x3FB4]  }
0x2c: {  	s7 =	sld [smem:$0x3FB5]  }
0x2d: {  	s3 =	simm.s32 $0x108;
	s8 =	sld [smem:$0x3FB6]  }
0x2e: {  	s3 =	simm.s32 @!p0 $0x1082;
	s9 =	sld [smem:$0x3FB7]  }
0x2f: {  	lr =	sadd.s32 s0, s3;
	s0 =	sld [smem:$0x3FAE]  }
0x30: {  	s3 =	sld [smem:$0x3FB1]  }
0x31: {  	[smem:$0x3FBA] =	sst s10  }
0x32: {  	s10 =	sld [smem:$0x3FB8];
	_ =	sdelay $0x3  }
0x33: {  	p0 =	seq.s32 s10, $0x1;
	s10 =	sld [smem:$0x3FBA];
	_ =	sdelay $0x3  }
0x34: {  	[smem:$0x3FBA] =	sst s10  }
0x35: {  	s10 =	sld [smem:$0x3FB9];
	_ =	sdelay $0x3  }
0x36: {  	p1 =	seq.s32 s10, $0x1;
	s10 =	sld [smem:$0x3FBA];
	_ =	sdelay $0x3  }
0x37: {  	[smem:$0x3FBA] =	sst s10  }
0x38: {  	s10 =	sld [smem:$0x3FBB]  }
0x39: {  	_ = 	snop;
	(pc) =	sbr.ind lr, $3  }
0x3a: {  	_ = 	snop  }
0x3b: {  	_ = 	snop  }
0x3c: {  	p2 =	seq.s32 s10, $0x1;
	s10 =	sld [smem:$0x3FBA]  }
0x3d: {  	_ =	shalt  }
0x3e: {  	_ =	shalt  }
0x3f: {  	_ =	shalt  }
0x40: {  	_ =	shalt  }
0x41: {  	_ =	shalt  }
0x42: {  	_ =	shalt  }
0x43: {  	_ =	shalt  }
0x44: {  	_ =	shalt  }
0x45: {  	_ =	shalt  }
0x46: {  	_ =	shalt  }
0x47: {  	_ =	shalt  }
0x48: {  	_ =	shalt  }
0x49: {  	_ =	shalt  }
0x4a: {  	_ =	shalt  }
0x4b: {  	_ =	shalt  }
0x4c: {  	_ =	shalt  }
0x4d: {  	_ =	shalt  }
0x4e: {  	_ =	shalt  }
0x4f: {  	_ =	shalt  }
0x50: {  	_ =	shalt  }
0x51: {  	_ =	shalt  }
0x52: {  	_ =	shalt  }
0x53: {  	_ =	shalt  }
0x54: {  	_ =	shalt  }
0x55: {  	_ =	shalt  }
0x56: {  	_ =	shalt  }
0x57: {  	_ =	shalt  }
0x58: {  	_ =	shalt  }
0x59: {  	_ =	shalt  }
0x5a: {  	_ =	shalt  }
0x5b: {  	_ =	shalt  }
0x5c: {  	_ =	shalt  }
0x5d: {  	_ =	shalt  }
0x5e: {  	_ =	shalt  }
0x5f: {  	_ =	shalt  }
0x60: {  	_ =	shalt  }
0x61: {  	_ =	shalt  }
0x62: {  	_ =	shalt  }
0x63: {  	_ =	shalt  }
0x64: {  	_ =	shalt  }
0x65: {  	_ =	shalt  }
0x66: {  	_ =	shalt  }
0x67: {  	_ =	shalt  }
0x68: {  	_ =	shalt  }
0x69: {  	_ =	shalt  }
0x6a: {  	_ =	shalt  }
0x6b: {  	_ =	shalt  }
0x6c: {  	_ =	shalt  }
0x6d: {  	_ =	shalt  }
0x6e: {  	_ =	shalt  }
0x6f: {  	_ =	shalt  }
0x70: {  	_ =	shalt  }
0x71: {  	_ =	shalt  }
0x72: {  	_ =	shalt  }
0x73: {  	_ =	shalt  }
0x74: {  	_ =	shalt  }
0x75: {  	_ =	shalt  }
0x76: {  	_ =	shalt  }
0x77: {  	_ =	shalt  }
0x78: {  	_ =	shalt  }
0x79: {  	_ =	shalt  }
0x7a: {  	_ =	shalt  }
0x7b: {  	_ =	shalt  }
0x7c: {  	_ =	shalt  }
0x7d: {  	_ =	shalt  }
0x7e: {  	_ =	shalt  }
0x7f: {  	_ =	shalt  }
0x80: {  	_ =	shalt  }
0x81: {  	_ =	shalt  }
0x82: {  	_ =	shalt  }
0x83: {  	_ =	shalt  }
0x84: {  	_ =	shalt  }
0x85: {  	_ =	shalt  }
0x86: {  	_ =	shalt  }
0x87: {  	_ =	shalt  }
.Lfunc_end0:
.L_simem_size_0:
called_computation_lowered:
.L_overlay_start_0:
0x88: {  	s2 =	sld [smem:$0x3FD9]  }
0x89: {  	s3 =	sld [smem:$0x3FFE];
	_ =	sdelay $0x1  }
0x8a: {  	s1 =	srdreg.scid  }
0x8b: {  	s0 =	sand.u32 $0x1, s1  }
0x8c: {  	s17 =	sshll.u32 s0, $0xA;
	s2 =	sadd.s32 s3, s2  }
0x8d: {  	s2 =	sadd.s32 s2, s17  }
0x8e: {  	[smem:$0x3FC6] =	sst s2  }
0x8f: {  	_ = 	snop  }
0x90: {  	s2 =	sld [smem:$0x3FD0];
	(tm) =	ssettm $0x1  }
0x91: {  	s18 =	sld [smem:$0x3FFB];
	_ =	sdelay $0x3  }
0x92: {  	_ =	strace s18  }
0x93: {  	s3 =	sld [smem:$0x3FFC];
	_ =	sdelay $0x3  }
0x94: {  	_ =	strace s3  }
0x95: {  	s3 =	sld [smem:$0x3FFD];
	_ =	sdelay $0x3  }
0x96: {  	_ =	strace s3  }
0x97: {  	_ =	strace $0x8FFFFFFF  }
0x98: {  	s19 =	sld [smem:$0x3FDB];
	_ =	sdelay $0x1  }
0x99: {  	s4 =	simm.s32 $_scs_section_size  }
0x9a: {  	s5 =	simm.s32 $_size__tile_overlayer_lowered;
	s6 =	simm.s32 $_tile_overlayer_lowered  }
0x9b: {  	s22 =	simm.s32 $0x1BFF;
	s21 =	sshll.u32 s6, $0x1;
	s3 =	sadd.s32 s4, s19  }
0x9c: {  	s7 =	simm.s32 $0x0;
	s20 =	sshll.u32 s5, $0x1;
	s5 =	sadd.s32 s21, s3  }
0x9d: {  	[timem:s7], [sflag:s22] =	dma.local [hbm:s5], s20  }
0x9e: {  	_ =	swait.ge [sflag:s22], s20  }
0x9f: {  	s4 =	ssub.s32 $0x0, s20;
	[sflag:s22] =	ssyncset.done $0x0  }
0xa0: {  	[sflag:s22] =	ssyncadd.s32 s4;
	_ =	sdelay $0x1  }
0xa1: {  	s23 =	simm.s32 $0x1B8B  }
0xa2: {  	_ =	swait.ge [sflag:s23], $0x1  }
0xa3: {  	[sflag:s23] =	ssyncset.done $0x0  }
0xa4: {  	s25 =	simm.s32 $0x1B8E;
	s24 =	sld [smem:$0x3FFE];
	[sflag:s23] =	ssyncadd.s32 $0xFFFFFFFF  }
0xa5: {  	s26 =	simm.s32 $execute0_lowered;
	[smem:$0x3FD2] =	sst s25  }
0xa6: {  	s5 =	sshll.u32 s26, $0x1;
	_ =	strace $0x80000046;
	[dreg:$0x1] =	wrdreg $0xFFFFFFFF  }
0xa7: {  	s28 =	simm.s32 $_size_execute0_lowered;
	s3 =	sadd.s32 s3, s5;
	[dreg:$0x0] =	wrdreg $0x0  }
0xa8: {  	s5 =	sshll.u32 s28, $0x1;
	[dreg:$0x2] =	wrdreg s3  }
0xa9: {  	[dreg:$0x3] =	wrdreg s5  }
0xaa: {  	[dreg:$0x4] =	wrdreg $0xC0  }
0xab: {  	_ =	task [dreg:s7], $0x5FFFF  }
0xac: {  	[dreg:$0x1] =	wrdreg $0xFFFFFFFF  }
0xad: {  	[dreg:$0x0] =	wrdreg $0x60  }
0xae: {  	[dreg:$0x2] =	wrdreg s24  }
0xaf: {  	[dreg:$0x3] =	wrdreg s2  }
0xb0: {  	[dreg:$0x4] =	wrdreg $0x9  }
0xb1: {  	_ =	task.clear_ibuf [dreg:s7], $0x5FFFF;
	_ =	strace $0x90000046  }
0xb2: {  	s29 =	simm.s32 $0x9;
	_ =	strace $0x80000048  }
0xb3: {  	_ =	swait.ge [sflag:s29], $0x1  }
0xb4: {  	[sflag:s29] =	ssyncadd.s32 $0xFFFFFFFF  }
0xb5: {  	_ =	strace $0x90000048  }
0xb6: {  	_ =	sfence  }
0xb7: {  	s30 =	sld [smem:$0x0];
	_ =	sdelay $0x2  }
0xb8: {  	s31 =	sshll.u32 s1, $0xD;
	s1 =	sshrl.u32 s1, $0x2  }
0xb9: {  	s3 =	sand.u32 $0x4000, s31;
	s1 =	sadd.s32 s1, s30  }
0xba: {  	s0 =	sor.u32 s3, s0;
	s1 =	sshll.u32 s1, $0x11  }
0xbb: {  	s0 =	sor.u32 s1, s0  }
0xbc: {  	s0 =	sadd.s32 $0x8F2B, s0  }
0xbd: {  	[sflag:s0] =	ssyncadd.remote.s32 $0x1  }
0xbe: {  	_ =	sfence.sel $0xFFFF  }
0xbf: {  	[dreg:$0x0] =	wrdreg $0xFFFFFFFF;
	(pc) =	sbr.abs _section_cstart, $3  }
0xc0: {  	[dreg:$0x1] =	wrdreg $0xFFFFFFFF  }
0xc1: {  	_ =	task.clear_ibuf [dreg:s7], $0x2FFFF;
	_ =	strace $0x9FFFFFFF  }
0xc2: {  	(tm) =	ssettm $0x7FFFFFFF  }
0xc3: {  	_ =	shalt  }
tec
execute0_lowered:
.L_overlay_start_1:
0x0: {  	(tag) =	ssettag $0x1  }
0x1: {  	s0 =	srdreg.scid  }
0x2: {  	s1 =	rddreg [dreg:$0x0];
	s2 =	stileid.u32  }
0x3: {  	s5 =	rddreg [dreg:$0x1];
	s7 =	simm.s32 $0x5;
	s8 =	simm.s32 $0x28  }
0x4: {  	s11 =	simm.s32 $0x230;
	s12 =	simm.s32 $0xF000;
	s13 =	simm.s32 $0x258  }
0x5: {  	s14 =	simm.s32 $0xFA00;
	s15 =	simm.s32 $0x280;
	s16 =	simm.s32 $0x10400  }
0x6: {  	s17 =	simm.s32 $0x2A8;
	s18 =	simm.s32 $0x10E00;
	s19 =	simm.s32 $0x2D0  }
0x7: {  	s20 =	simm.s32 $0x11800;
	s21 =	simm.s32 $0x2F8;
	s22 =	simm.s32 $0x12200  }
0x8: {  	s23 =	simm.s32 $0x1;
	s24 =	simm.s32 $0x2;
	s25 =	simm.s32 $0x3  }
0x9: {  	s26 =	simm.s32 $0x4;
	s28 =	simm.s32 $0x12C00;
	s0 =	sand.u32 $0x1, s0  }
0xa: {  	s29 =	simm.s32 $0x0;
	s3 =	sshll.u32 s2, $0x8;
	s4 =	sshll.u32 s0, $0x7  }
.Ltmp0:
0xb: {  	s2 =	simm.s32 $0x0;
	s6 =	sor.u32 s4, s3;
	(pc) =	sbr.rel .LBB2_1-.Ltmp0, $4  }
0xc: {  	[smem:$0x7FF] =	sst s2;
	s0 =	ssub.s32 $0x2, s0;
	s4 =	smul.u32 $0x19, s6  }
0xd: {  	_ =	strace $0x80000047;
	s3 =	sadd.s32 $0xF42C00, s1;
	s30 =	sshrl.u32 s0, $0x1  }
0xe: {  	s0 =	ssub.s32 s0, s30;
	s31 =	sshll.u32 s6, $0x3;
	s1 =	sadd.s32 s4, s1  }
0xf: {  	s5 =	sadd.s32 s5, s31;
	s6 =	smax.u32 s0, $0x1;
	s4 =	sadd.s32 $0x600, s1  }
.LBB2_12:
0x10: {  	s29 =	sadd.s32 $0x1, s29  }
0x11: {  	p0 =	sne.s32 s29, s6  }
.Ltmp1:
0x12: {  	_ = 	snop;
	(pc) =	sbr.rel @!p0 .LBB2_13-.Ltmp1, $4  }
0x13: {  	[hbm4b:s5+s2] =	stream.linear.scatter [tilespmem:s28], [sflag:$0x5], $0x2000, $0x38;
	[tilespmem:$0x14C00] =	vst v63  }
0x14: {  	_ =	swait.ge [sflag:s7], $0x2000  }
0x15: {  	[sflag:s7] =	ssyncset.done $0x0  }
0x16: {  	[sflag:s7] =	ssyncadd.s32 $0xFFFFE000  }
.LBB2_1:
0x17: {  	[tilespmem:s2], [sflag:$0x5] =	stream.linear.gather [hbm4b:s4+s2], $0x6400, $0x38;
	[tilespmem:$0x14C00] =	vst v63  }
0x18: {  	_ =	swait.ge [sflag:s7], $0x6400  }
0x19: {  	[sflag:s7] =	ssyncset.done $0x0  }
0x1a: {  	s0 =	simm.s32 $0x6400;
	[sflag:s7] =	ssyncadd.s32 $0xFFFF9C00  }
0x1b: {  	[tilespmem:s0], [sflag:$0x1] =	stream.indirect.gather [hbm4b:s3+s8], $0x40, s2, s8, $0xb8;
	[tilespmem:$0x14C00] =	vst v63  }
0x1c: {  	s1 =	simm.s32 $0x6E00  }
0x1d: {  	[tilespmem:s1], [sflag:$0x1] =	stream.indirect.gather [hbm4b:s3+s8], $0x40, s8, s8, $0xb8;
	[tilespmem:$0x14C00] =	vst v63  }
0x1e: {  	s9 =	simm.s32 $0x50;
	s1 =	simm.s32 $0x7800  }
0x1f: {  	[tilespmem:s1], [sflag:$0x1] =	stream.indirect.gather [hbm4b:s3+s8], $0x40, s9, s8, $0xb8;
	[tilespmem:$0x14C00] =	vst v63  }
0x20: {  	s10 =	simm.s32 $0x78;
	s31 =	simm.s32 $0x8200  }
0x21: {  	[tilespmem:s31], [sflag:$0x1] =	stream.indirect.gather [hbm4b:s3+s8], $0x40, s10, s8, $0xb8;
	[tilespmem:$0x14C00] =	vst v63  }
0x22: {  	s1 =	simm.s32 $0xA0;
	s9 =	simm.s32 $0x8C00  }
0x23: {  	[tilespmem:s9], [sflag:$0x1] =	stream.indirect.gather [hbm4b:s3+s8], $0x40, s1, s8, $0xb8;
	[tilespmem:$0x14C00] =	vst v63  }
0x24: {  	s10 =	simm.s32 $0xC8;
	s31 =	simm.s32 $0x9600  }
0x25: {  	[tilespmem:s31], [sflag:$0x2] =	stream.indirect.gather [hbm4b:s3+s8], $0x40, s10, s8, $0xb8;
	[tilespmem:$0x14C00] =	vst v63  }
0x26: {  	s1 =	simm.s32 $0xF0;
	s9 =	simm.s32 $0xA000  }
0x27: {  	[tilespmem:s9], [sflag:$0x2] =	stream.indirect.gather [hbm4b:s3+s8], $0x40, s1, s8, $0xb8;
	[tilespmem:$0x14C00] =	vst v63  }
0x28: {  	s10 =	simm.s32 $0x118;
	s31 =	simm.s32 $0xAA00  }
0x29: {  	[tilespmem:s31], [sflag:$0x2] =	stream.indirect.gather [hbm4b:s3+s8], $0x40, s10, s8, $0xb8;
	[tilespmem:$0x14C00] =	vst v63  }
0x2a: {  	s1 =	simm.s32 $0x140;
	s9 =	simm.s32 $0xB400  }
0x2b: {  	[tilespmem:s9], [sflag:$0x2] =	stream.indirect.gather [hbm4b:s3+s8], $0x40, s1, s8, $0xb8;
	[tilespmem:$0x14C00] =	vst v63  }
0x2c: {  	s10 =	simm.s32 $0x168;
	s31 =	simm.s32 $0xBE00  }
0x2d: {  	[tilespmem:s31], [sflag:$0x2] =	stream.indirect.gather [hbm4b:s3+s8], $0x40, s10, s8, $0xb8;
	[tilespmem:$0x14C00] =	vst v63  }
0x2e: {  	s1 =	simm.s32 $0x190;
	s9 =	simm.s32 $0xC800  }
0x2f: {  	[tilespmem:s9], [sflag:$0x3] =	stream.indirect.gather [hbm4b:s3+s8], $0x40, s1, s8, $0xb8;
	[tilespmem:$0x14C00] =	vst v63  }
0x30: {  	s10 =	simm.s32 $0x1B8;
	s31 =	simm.s32 $0xD200  }
0x31: {  	[tilespmem:s31], [sflag:$0x3] =	stream.indirect.gather [hbm4b:s3+s8], $0x40, s10, s8, $0xb8;
	[tilespmem:$0x14C00] =	vst v63  }
0x32: {  	s1 =	simm.s32 $0x1E0;
	s9 =	simm.s32 $0xDC00  }
0x33: {  	[tilespmem:s9], [sflag:$0x3] =	stream.indirect.gather [hbm4b:s3+s8], $0x40, s1, s8, $0xb8;
	[tilespmem:$0x14C00] =	vst v63  }
0x34: {  	s10 =	simm.s32 $0x208;
	s31 =	simm.s32 $0xE600  }
0x35: {  	[tilespmem:s31], [sflag:$0x3] =	stream.indirect.gather [hbm4b:s3+s8], $0x40, s10, s8, $0xb8;
	[tilespmem:$0x14C00] =	vst v63  }
0x36: {  	_ = 	snop  }
0x37: {  	[tilespmem:s12], [sflag:$0x3] =	stream.indirect.gather [hbm4b:s3+s8], $0x40, s11, s8, $0xb8;
	[tilespmem:$0x14C00] =	vst v63  }
0x38: {  	_ = 	snop  }
0x39: {  	[tilespmem:s14], [sflag:$0x4] =	stream.indirect.gather [hbm4b:s3+s8], $0x40, s13, s8, $0xb8;
	[tilespmem:$0x14C00] =	vst v63  }
0x3a: {  	_ = 	snop  }
0x3b: {  	[tilespmem:s16], [sflag:$0x4] =	stream.indirect.gather [hbm4b:s3+s8], $0x40, s15, s8, $0xb8;
	[tilespmem:$0x14C00] =	vst v63  }
0x3c: {  	_ = 	snop  }
0x3d: {  	[tilespmem:s18], [sflag:$0x4] =	stream.indirect.gather [hbm4b:s3+s8], $0x40, s17, s8, $0xb8;
	[tilespmem:$0x14C00] =	vst v63  }
0x3e: {  	_ = 	snop  }
0x3f: {  	[tilespmem:s20], [sflag:$0x4] =	stream.indirect.gather [hbm4b:s3+s8], $0x40, s19, s8, $0xb8;
	[tilespmem:$0x14C00] =	vst v63  }
0x40: {  	s30 =	simm.s32 $0x0  }
0x41: {  	[tilespmem:s22], [sflag:$0x4] =	stream.indirect.gather [hbm4b:s3+s8], $0x40, s21, s8, $0xb8;
	[tilespmem:$0x14C00] =	vst v63  }
.LBB2_2:
0x42: {  	_ =	swait.ge [sflag:s23], $0x3200  }
0x43: {  	[sflag:s23] =	ssyncset.done $0x0  }
0x44: {  	s1 =	simm.s32 $0x0;
	[sflag:s23] =	ssyncadd.s32 $0xFFFFCE00  }
0x45: {  	v0 =	vld [tilespmem:s1+$0x65C0]  }
0x46: {  	v1 =	vld [tilespmem:s1+$0x65D0]  }
0x47: {  	v2 =	vld [tilespmem:s1+$0x6580]  }
0x48: {  	v3 =	vld [tilespmem:s1+$0x6590]  }
0x49: {  	v4 =	vld [tilespmem:s1+$0x6540]  }
0x4a: {  	v5 =	vld [tilespmem:s1+$0x6550]  }
0x4b: {  	v6 =	vld [tilespmem:s1+$0x6500]  }
0x4c: {  	v7 =	vld [tilespmem:s1+$0x6510]  }
0x4d: {  	v9 =	vld [tilespmem:s1+$0x64C0]  }
0x4e: {  	v8 =	vld [tilespmem:s1+$0x64D0]  }
0x4f: {  	v11 =	vld [tilespmem:s1+$0x6480]  }
0x50: {  	v10 =	vld [tilespmem:s1+$0x6490]  }
0x51: {  	v17 =	vld [tilespmem:s1+$0x6440]  }
0x52: {  	v16 =	vld [tilespmem:s1+$0x6450]  }
0x53: {  	v19 =	vld [tilespmem:s1+$0x6400]  }
0x54: {  	v12 =	vimm.f32 $0.0e+00;
	v20 =	vld [tilespmem:s1+$0x6410]  }
0x55: {  	s0 =	simm.s32 $0x800;
	v15 =	vimm.f32 $0.0e+00;
	v14 =	vimm.f32 $0.0e+00;
	v13 =	vimm.f32 $0.0e+00;
	v18 =	vld [tilespmem:s1+$0x6420]  }
.LBB2_3:
0x56: {  	p0 =	sne.s32 s0, $0xC000;
	v21 =	vld [tilespmem:s1+$0x6430]  }
0x57: {  	v22 =	vld [tilespmem:s1+$0x6460]  }
0x58: {  	v23 =	vld [tilespmem:s1+$0x6470]  }
0x59: {  	v24 =	vld [tilespmem:s1+$0x64A0]  }
0x5a: {  	v12 =	vadd.f32 v19, v12;
	v15 =	vadd.f32 v20, v15;
	v19 =	vld [tilespmem:s1+$0x64B0]  }
0x5b: {  	v14 =	vadd.f32 v18, v14;
	v13 =	vadd.f32 v21, v13;
	v18 =	vld [tilespmem:s1+$0x64E0]  }
0x5c: {  	v12 =	vadd.f32 v17, v12;
	v15 =	vadd.f32 v16, v15;
	v16 =	vld [tilespmem:s1+$0x64F0]  }
0x5d: {  	v14 =	vadd.f32 v22, v14;
	v13 =	vadd.f32 v23, v13;
	v17 =	vld [tilespmem:s1+$0x6520]  }
0x5e: {  	v11 =	vadd.f32 v11, v12;
	v10 =	vadd.f32 v10, v15;
	v12 =	vld [tilespmem:s1+$0x6530]  }
0x5f: {  	v14 =	vadd.f32 v24, v14;
	v13 =	vadd.f32 v19, v13;
	v15 =	vld [tilespmem:s1+$0x6560]  }
0x60: {  	v9 =	vadd.f32 v9, v11;
	v8 =	vadd.f32 v8, v10;
	v10 =	vld [tilespmem:s1+$0x6570]  }
0x61: {  	v11 =	vadd.f32 v18, v14;
	v13 =	vadd.f32 v16, v13;
	v14 =	vld [tilespmem:s1+$0x65A0]  }
0x62: {  	v6 =	vadd.f32 v6, v9;
	v7 =	vadd.f32 v7, v8;
	v8 =	vld [tilespmem:s1+$0x65B0]  }
0x63: {  	v9 =	vadd.f32 v17, v11;
	v11 =	vadd.f32 v12, v13;
	v13 =	vld [tilespmem:s1+$0x65E0]  }
0x64: {  	v4 =	vadd.f32 v4, v6;
	v5 =	vadd.f32 v5, v7;
	v6 =	vld [tilespmem:s1+$0x65F0];
	s1 =	sshra.s32 s0, $0x2  }
0x65: {  	v9 =	vadd.f32 v15, v9;
	v7 =	vld [tilespmem:s1+$0x65C0];
	v10 =	vadd.f32 v10, v11  }
0x66: {  	v4 =	vadd.f32 v2, v4;
	v5 =	vadd.f32 v3, v5;
	v11 =	vld [tilespmem:s1+$0x65D0]  }
0x67: {  	v9 =	vadd.f32 v14, v9;
	v2 =	vld [tilespmem:s1+$0x6580];
	v8 =	vadd.f32 v8, v10  }
0x68: {  	v12 =	vadd.f32 v0, v4;
	v15 =	vadd.f32 v1, v5;
	v3 =	vld [tilespmem:s1+$0x6590]  }
0x69: {  	v14 =	vadd.f32 v13, v9;
	v4 =	vld [tilespmem:s1+$0x6540];
	v13 =	vadd.f32 v6, v8  }
0x6a: {  	v5 =	vld [tilespmem:s1+$0x6550];
	v0 =	vmov v7  }
0x6b: {  	v6 =	vld [tilespmem:s1+$0x6500];
	v1 =	vmov v11  }
0x6c: {  	v7 =	vld [tilespmem:s1+$0x6510]  }
0x6d: {  	v9 =	vld [tilespmem:s1+$0x64C0]  }
0x6e: {  	v8 =	vld [tilespmem:s1+$0x64D0]  }
0x6f: {  	v11 =	vld [tilespmem:s1+$0x6480]  }
0x70: {  	v10 =	vld [tilespmem:s1+$0x6490]  }
.Ltmp2:
0x71: {  	v17 =	vld [tilespmem:s1+$0x6440];
	(pc) =	sbr.rel @p0 .LBB2_3-.Ltmp2, $4  }
0x72: {  	v16 =	vld [tilespmem:s1+$0x6450]  }
0x73: {  	v19 =	vld [tilespmem:s1+$0x6400]  }
0x74: {  	v20 =	vld [tilespmem:s1+$0x6410]  }
0x75: {  	s0 =	sadd.s32 $0x800, s0;
	v18 =	vld [tilespmem:s1+$0x6420]  }
0x76: {  	v21 =	vld [tilespmem:s1+$0x6430]  }
0x77: {  	v22 =	vld [tilespmem:s1+$0x6460]  }
0x78: {  	v23 =	vld [tilespmem:s1+$0x6470];
	v12 =	vadd.f32 v19, v12  }
0x79: {  	v19 =	vld [tilespmem:s1+$0x64A0];
	v15 =	vadd.f32 v20, v15  }
0x7a: {  	v20 =	vld [tilespmem:s1+$0x64B0];
	v14 =	vadd.f32 v18, v14;
	v12 =	vadd.f32 v17, v12  }
0x7b: {  	v17 =	vld [tilespmem:s1+$0x64E0];
	v13 =	vadd.f32 v21, v13;
	v15 =	vadd.f32 v16, v15  }
0x7c: {  	v16 =	vld [tilespmem:s1+$0x64F0];
	v14 =	vadd.f32 v22, v14;
	v11 =	vadd.f32 v11, v12  }
0x7d: {  	v12 =	vadd.f32 v23, v13;
	v13 =	vld [tilespmem:s1+$0x6520];
	v10 =	vadd.f32 v10, v15  }
0x7e: {  	v15 =	vld [tilespmem:s1+$0x6530];
	v14 =	vadd.f32 v19, v14;
	v9 =	vadd.f32 v9, v11  }
0x7f: {  	v11 =	vadd.f32 v20, v12;
	v12 =	vld [tilespmem:s1+$0x6560];
	v8 =	vadd.f32 v8, v10  }
0x80: {  	v10 =	vld [tilespmem:s1+$0x6570];
	v14 =	vadd.f32 v17, v14;
	v6 =	vadd.f32 v6, v9  }
0x81: {  	v9 =	vadd.f32 v16, v11;
	v11 =	vld [tilespmem:s1+$0x65A0];
	v7 =	vadd.f32 v7, v8  }
0x82: {  	v8 =	vld [tilespmem:s1+$0x65B0];
	v13 =	vadd.f32 v13, v14;
	v4 =	vadd.f32 v4, v6  }
0x83: {  	v6 =	vadd.f32 v15, v9;
	v9 =	vld [tilespmem:s1+$0x65E0];
	v5 =	vadd.f32 v5, v7  }
0x84: {  	v7 =	vld [tilespmem:s1+$0x65F0];
	v12 =	vadd.f32 v12, v13;
	v2 =	vadd.f32 v2, v4  }
0x85: {  	v4 =	vadd.f32 v10, v6;
	v3 =	vadd.f32 v3, v5  }
0x86: {  	s0 =	sshll.u32 s30, $0x8;
	v5 =	vadd.f32 v11, v12;
	v0 =	vadd.f32 v0, v2  }
0x87: {  	p0 =	seq.s32 s30, $0x1F;
	s31 =	sand.u32 $0x3FFFFF00, s0;
	v2 =	vadd.f32 v8, v4;
	v1 =	vadd.f32 v1, v3  }
0x88: {  	s0 =	smul.u32 @!p0 $0xC80, s30;
	v3 =	vadd.f32 v9, v5;
	[tilespmem:s31+$0x12C00] =	vst v0  }
0x89: {  	v0 =	vadd.f32 v7, v2;
	[tilespmem:s31+$0x12C10] =	vst v1  }
0x8a: {  	s1 =	sshra.s32 @!p0 s0, $0x2;
	[tilespmem:s31+$0x12C20] =	vst v3  }
0x8b: {  	s9 =	simm.s32 @!p0 $0x28;
	s10 =	simm.s32 @!p0 $0x6400;
	s0 =	sadd.s32 @!p0 $0x320, s1;
	[tilespmem:s31+$0x12C30] =	vst v0  }
0x8c: {  	[tilespmem:s10], [sflag:$0x1] =	stream.indirect.gather @!p0 [hbm4b:s3+s9], $0x40, s0, s9, $0xb8;
	[tilespmem:$0x14C00] =	vst v63  }
0x8d: {  	s0 =	sadd.s32 @!p0 $0x348, s1;
	s10 =	simm.s32 @!p0 $0x6E00  }
0x8e: {  	[tilespmem:s10], [sflag:$0x1] =	stream.indirect.gather @!p0 [hbm4b:s3+s9], $0x40, s0, s9, $0xb8;
	[tilespmem:$0x14C00] =	vst v63  }
0x8f: {  	s0 =	sadd.s32 @!p0 $0x370, s1;
	s10 =	simm.s32 @!p0 $0x7800  }
0x90: {  	[tilespmem:s10], [sflag:$0x1] =	stream.indirect.gather @!p0 [hbm4b:s3+s9], $0x40, s0, s9, $0xb8;
	[tilespmem:$0x14C00] =	vst v63  }
0x91: {  	s0 =	sadd.s32 @!p0 $0x398, s1;
	s10 =	simm.s32 @!p0 $0x8200  }
0x92: {  	[tilespmem:s10], [sflag:$0x1] =	stream.indirect.gather @!p0 [hbm4b:s3+s9], $0x40, s0, s9, $0xb8;
	[tilespmem:$0x14C00] =	vst v63  }
0x93: {  	s0 =	sadd.s32 @!p0 $0x3C0, s1;
	s10 =	simm.s32 @!p0 $0x8C00  }
0x94: {  	[tilespmem:s10], [sflag:$0x1] =	stream.indirect.gather @!p0 [hbm4b:s3+s9], $0x40, s0, s9, $0xb8;
	[tilespmem:$0x14C00] =	vst v63  }
0x95: {  	_ =	swait.ge [sflag:s24], $0x3200  }
0x96: {  	[sflag:s24] =	ssyncset.done $0x0  }
0x97: {  	s0 =	simm.s32 $0x0;
	[sflag:s24] =	ssyncadd.s32 $0xFFFFCE00  }
0x98: {  	v0 =	vld [tilespmem:s0+$0x97C0]  }
0x99: {  	v1 =	vld [tilespmem:s0+$0x97D0]  }
0x9a: {  	v2 =	vld [tilespmem:s0+$0x9780]  }
0x9b: {  	v3 =	vld [tilespmem:s0+$0x9790]  }
0x9c: {  	v4 =	vld [tilespmem:s0+$0x9740]  }
0x9d: {  	v5 =	vld [tilespmem:s0+$0x9750]  }
0x9e: {  	v6 =	vld [tilespmem:s0+$0x9700]  }
0x9f: {  	v7 =	vld [tilespmem:s0+$0x9710]  }
0xa0: {  	v9 =	vld [tilespmem:s0+$0x96C0]  }
0xa1: {  	v8 =	vld [tilespmem:s0+$0x96D0]  }
0xa2: {  	v11 =	vld [tilespmem:s0+$0x9680]  }
0xa3: {  	v10 =	vld [tilespmem:s0+$0x9690]  }
0xa4: {  	v17 =	vld [tilespmem:s0+$0x9640]  }
0xa5: {  	v16 =	vld [tilespmem:s0+$0x9650]  }
0xa6: {  	v19 =	vld [tilespmem:s0+$0x9600]  }
0xa7: {  	v14 =	vimm.f32 $0.0e+00;
	v20 =	vld [tilespmem:s0+$0x9610]  }
0xa8: {  	v15 =	vimm.f32 $0.0e+00;
	v13 =	vimm.f32 $0.0e+00;
	v12 =	vimm.f32 $0.0e+00;
	s9 =	simm.s32 $0x800;
	v18 =	vld [tilespmem:s0+$0x9620]  }
.LBB2_5:
0xa9: {  	p1 =	sne.s32 s9, $0xC000;
	v21 =	vld [tilespmem:s0+$0x9630]  }
0xaa: {  	v22 =	vld [tilespmem:s0+$0x9660]  }
0xab: {  	v23 =	vld [tilespmem:s0+$0x9670]  }
0xac: {  	v24 =	vld [tilespmem:s0+$0x96A0]  }
0xad: {  	v12 =	vadd.f32 v19, v12;
	v15 =	vadd.f32 v20, v15;
	v19 =	vld [tilespmem:s0+$0x96B0]  }
0xae: {  	v14 =	vadd.f32 v18, v14;
	v13 =	vadd.f32 v21, v13;
	v18 =	vld [tilespmem:s0+$0x96E0]  }
0xaf: {  	v12 =	vadd.f32 v17, v12;
	v15 =	vadd.f32 v16, v15;
	v16 =	vld [tilespmem:s0+$0x96F0]  }
0xb0: {  	v14 =	vadd.f32 v22, v14;
	v13 =	vadd.f32 v23, v13;
	v17 =	vld [tilespmem:s0+$0x9720]  }
0xb1: {  	v11 =	vadd.f32 v11, v12;
	v10 =	vadd.f32 v10, v15;
	v12 =	vld [tilespmem:s0+$0x9730]  }
0xb2: {  	v14 =	vadd.f32 v24, v14;
	v13 =	vadd.f32 v19, v13;
	v15 =	vld [tilespmem:s0+$0x9760]  }
0xb3: {  	v9 =	vadd.f32 v9, v11;
	v8 =	vadd.f32 v8, v10;
	v10 =	vld [tilespmem:s0+$0x9770]  }
0xb4: {  	v11 =	vadd.f32 v18, v14;
	v13 =	vadd.f32 v16, v13;
	v14 =	vld [tilespmem:s0+$0x97A0]  }
0xb5: {  	v6 =	vadd.f32 v6, v9;
	v7 =	vadd.f32 v7, v8;
	v8 =	vld [tilespmem:s0+$0x97B0]  }
0xb6: {  	v9 =	vadd.f32 v17, v11;
	v11 =	vadd.f32 v12, v13;
	v13 =	vld [tilespmem:s0+$0x97E0]  }
0xb7: {  	v4 =	vadd.f32 v4, v6;
	v5 =	vadd.f32 v5, v7;
	v6 =	vld [tilespmem:s0+$0x97F0];
	s0 =	sshra.s32 s9, $0x2  }
0xb8: {  	v9 =	vadd.f32 v15, v9;
	v7 =	vld [tilespmem:s0+$0x97C0];
	v10 =	vadd.f32 v10, v11  }
0xb9: {  	v4 =	vadd.f32 v2, v4;
	v5 =	vadd.f32 v3, v5;
	v11 =	vld [tilespmem:s0+$0x97D0]  }
0xba: {  	v9 =	vadd.f32 v14, v9;
	v2 =	vld [tilespmem:s0+$0x9780];
	v8 =	vadd.f32 v8, v10  }
0xbb: {  	v12 =	vadd.f32 v0, v4;
	v15 =	vadd.f32 v1, v5;
	v3 =	vld [tilespmem:s0+$0x9790]  }
0xbc: {  	v14 =	vadd.f32 v13, v9;
	v4 =	vld [tilespmem:s0+$0x9740];
	v13 =	vadd.f32 v6, v8  }
0xbd: {  	v5 =	vld [tilespmem:s0+$0x9750];
	v0 =	vmov v7  }
0xbe: {  	v6 =	vld [tilespmem:s0+$0x9700];
	v1 =	vmov v11  }
0xbf: {  	v7 =	vld [tilespmem:s0+$0x9710]  }
0xc0: {  	v9 =	vld [tilespmem:s0+$0x96C0]  }
0xc1: {  	v8 =	vld [tilespmem:s0+$0x96D0]  }
0xc2: {  	v11 =	vld [tilespmem:s0+$0x9680]  }
0xc3: {  	v10 =	vld [tilespmem:s0+$0x9690]  }
.Ltmp3:
0xc4: {  	v17 =	vld [tilespmem:s0+$0x9640];
	(pc) =	sbr.rel @p1 .LBB2_5-.Ltmp3, $4  }
0xc5: {  	v16 =	vld [tilespmem:s0+$0x9650]  }
0xc6: {  	v19 =	vld [tilespmem:s0+$0x9600]  }
0xc7: {  	v20 =	vld [tilespmem:s0+$0x9610]  }
0xc8: {  	s9 =	sadd.s32 $0x800, s9;
	v18 =	vld [tilespmem:s0+$0x9620]  }
0xc9: {  	v21 =	vld [tilespmem:s0+$0x9630]  }
0xca: {  	v22 =	vld [tilespmem:s0+$0x9660]  }
0xcb: {  	v23 =	vld [tilespmem:s0+$0x9670];
	v12 =	vadd.f32 v19, v12  }
0xcc: {  	v19 =	vld [tilespmem:s0+$0x96A0];
	v15 =	vadd.f32 v20, v15  }
0xcd: {  	v20 =	vld [tilespmem:s0+$0x96B0];
	v14 =	vadd.f32 v18, v14;
	v12 =	vadd.f32 v17, v12  }
0xce: {  	v17 =	vld [tilespmem:s0+$0x96E0];
	v13 =	vadd.f32 v21, v13;
	v15 =	vadd.f32 v16, v15  }
0xcf: {  	v16 =	vld [tilespmem:s0+$0x96F0];
	v14 =	vadd.f32 v22, v14;
	v11 =	vadd.f32 v11, v12  }
0xd0: {  	v12 =	vadd.f32 v23, v13;
	v13 =	vld [tilespmem:s0+$0x9720];
	v10 =	vadd.f32 v10, v15  }
0xd1: {  	v15 =	vld [tilespmem:s0+$0x9730];
	v14 =	vadd.f32 v19, v14;
	v9 =	vadd.f32 v9, v11  }
0xd2: {  	v11 =	vadd.f32 v20, v12;
	v12 =	vld [tilespmem:s0+$0x9760];
	v8 =	vadd.f32 v8, v10  }
0xd3: {  	v10 =	vld [tilespmem:s0+$0x9770];
	v14 =	vadd.f32 v17, v14;
	v6 =	vadd.f32 v6, v9  }
0xd4: {  	v9 =	vadd.f32 v16, v11;
	v11 =	vld [tilespmem:s0+$0x97A0];
	v7 =	vadd.f32 v7, v8  }
0xd5: {  	v8 =	vld [tilespmem:s0+$0x97B0];
	v13 =	vadd.f32 v13, v14;
	v4 =	vadd.f32 v4, v6  }
0xd6: {  	v6 =	vadd.f32 v15, v9;
	v9 =	vld [tilespmem:s0+$0x97E0];
	v5 =	vadd.f32 v5, v7  }
0xd7: {  	v7 =	vld [tilespmem:s0+$0x97F0];
	v12 =	vadd.f32 v12, v13;
	v2 =	vadd.f32 v2, v4  }
0xd8: {  	v4 =	vadd.f32 v10, v6;
	v3 =	vadd.f32 v3, v5  }
0xd9: {  	v5 =	vadd.f32 v11, v12;
	v0 =	vadd.f32 v0, v2  }
0xda: {  	v2 =	vadd.f32 v8, v4;
	v1 =	vadd.f32 v1, v3  }
0xdb: {  	v3 =	vadd.f32 v9, v5;
	[tilespmem:s31+$0x12C40] =	vst v0  }
0xdc: {  	v0 =	vadd.f32 v7, v2;
	[tilespmem:s31+$0x12C50] =	vst v1  }
0xdd: {  	[tilespmem:s31+$0x12C60] =	vst v3  }
0xde: {  	s9 =	simm.s32 @!p0 $0x28;
	s10 =	simm.s32 @!p0 $0x9600;
	s0 =	sadd.s32 @!p0 $0x3E8, s1;
	[tilespmem:s31+$0x12C70] =	vst v0  }
0xdf: {  	[tilespmem:s10], [sflag:$0x2] =	stream.indirect.gather @!p0 [hbm4b:s3+s9], $0x40, s0, s9, $0xb8;
	[tilespmem:$0x14C00] =	vst v63  }
0xe0: {  	s0 =	sadd.s32 @!p0 $0x410, s1;
	s10 =	simm.s32 @!p0 $0xA000  }
0xe1: {  	[tilespmem:s10], [sflag:$0x2] =	stream.indirect.gather @!p0 [hbm4b:s3+s9], $0x40, s0, s9, $0xb8;
	[tilespmem:$0x14C00] =	vst v63  }
0xe2: {  	s0 =	sadd.s32 @!p0 $0x438, s1;
	s10 =	simm.s32 @!p0 $0xAA00  }
0xe3: {  	[tilespmem:s10], [sflag:$0x2] =	stream.indirect.gather @!p0 [hbm4b:s3+s9], $0x40, s0, s9, $0xb8;
	[tilespmem:$0x14C00] =	vst v63  }
0xe4: {  	s0 =	sadd.s32 @!p0 $0x460, s1;
	s10 =	simm.s32 @!p0 $0xB400  }
0xe5: {  	[tilespmem:s10], [sflag:$0x2] =	stream.indirect.gather @!p0 [hbm4b:s3+s9], $0x40, s0, s9, $0xb8;
	[tilespmem:$0x14C00] =	vst v63  }
0xe6: {  	s0 =	sadd.s32 @!p0 $0x488, s1;
	s10 =	simm.s32 @!p0 $0xBE00  }
0xe7: {  	[tilespmem:s10], [sflag:$0x2] =	stream.indirect.gather @!p0 [hbm4b:s3+s9], $0x40, s0, s9, $0xb8;
	[tilespmem:$0x14C00] =	vst v63  }
0xe8: {  	_ =	swait.ge [sflag:s25], $0x3200  }
0xe9: {  	[sflag:s25] =	ssyncset.done $0x0  }
0xea: {  	s0 =	simm.s32 $0x0;
	[sflag:s25] =	ssyncadd.s32 $0xFFFFCE00  }
0xeb: {  	v0 =	vld [tilespmem:s0+$0xC9C0]  }
0xec: {  	v1 =	vld [tilespmem:s0+$0xC9D0]  }
0xed: {  	v2 =	vld [tilespmem:s0+$0xC980]  }
0xee: {  	v3 =	vld [tilespmem:s0+$0xC990]  }
0xef: {  	v4 =	vld [tilespmem:s0+$0xC940]  }
0xf0: {  	v5 =	vld [tilespmem:s0+$0xC950]  }
0xf1: {  	v6 =	vld [tilespmem:s0+$0xC900]  }
0xf2: {  	v7 =	vld [tilespmem:s0+$0xC910]  }
0xf3: {  	v9 =	vld [tilespmem:s0+$0xC8C0]  }
0xf4: {  	v8 =	vld [tilespmem:s0+$0xC8D0]  }
0xf5: {  	v11 =	vld [tilespmem:s0+$0xC880]  }
0xf6: {  	v10 =	vld [tilespmem:s0+$0xC890]  }
0xf7: {  	v17 =	vld [tilespmem:s0+$0xC840]  }
0xf8: {  	v16 =	vld [tilespmem:s0+$0xC850]  }
0xf9: {  	v19 =	vld [tilespmem:s0+$0xC800]  }
0xfa: {  	v14 =	vimm.f32 $0.0e+00;
	v20 =	vld [tilespmem:s0+$0xC810]  }
0xfb: {  	v15 =	vimm.f32 $0.0e+00;
	v13 =	vimm.f32 $0.0e+00;
	v12 =	vimm.f32 $0.0e+00;
	s9 =	simm.s32 $0x800;
	v18 =	vld [tilespmem:s0+$0xC820]  }
.LBB2_7:
0xfc: {  	p1 =	sne.s32 s9, $0xC000;
	v21 =	vld [tilespmem:s0+$0xC830]  }
0xfd: {  	v22 =	vld [tilespmem:s0+$0xC860]  }
0xfe: {  	v23 =	vld [tilespmem:s0+$0xC870]  }
0xff: {  	v24 =	vld [tilespmem:s0+$0xC8A0]  }
0x100: {  	v12 =	vadd.f32 v19, v12;
	v15 =	vadd.f32 v20, v15;
	v19 =	vld [tilespmem:s0+$0xC8B0]  }
0x101: {  	v14 =	vadd.f32 v18, v14;
	v13 =	vadd.f32 v21, v13;
	v18 =	vld [tilespmem:s0+$0xC8E0]  }
0x102: {  	v12 =	vadd.f32 v17, v12;
	v15 =	vadd.f32 v16, v15;
	v16 =	vld [tilespmem:s0+$0xC8F0]  }
0x103: {  	v14 =	vadd.f32 v22, v14;
	v13 =	vadd.f32 v23, v13;
	v17 =	vld [tilespmem:s0+$0xC920]  }
0x104: {  	v11 =	vadd.f32 v11, v12;
	v10 =	vadd.f32 v10, v15;
	v12 =	vld [tilespmem:s0+$0xC930]  }
0x105: {  	v14 =	vadd.f32 v24, v14;
	v13 =	vadd.f32 v19, v13;
	v15 =	vld [tilespmem:s0+$0xC960]  }
0x106: {  	v9 =	vadd.f32 v9, v11;
	v8 =	vadd.f32 v8, v10;
	v10 =	vld [tilespmem:s0+$0xC970]  }
0x107: {  	v11 =	vadd.f32 v18, v14;
	v13 =	vadd.f32 v16, v13;
	v14 =	vld [tilespmem:s0+$0xC9A0]  }
0x108: {  	v6 =	vadd.f32 v6, v9;
	v7 =	vadd.f32 v7, v8;
	v8 =	vld [tilespmem:s0+$0xC9B0]  }
0x109: {  	v9 =	vadd.f32 v17, v11;
	v11 =	vadd.f32 v12, v13;
	v13 =	vld [tilespmem:s0+$0xC9E0]  }
0x10a: {  	v4 =	vadd.f32 v4, v6;
	v5 =	vadd.f32 v5, v7;
	v6 =	vld [tilespmem:s0+$0xC9F0];
	s0 =	sshra.s32 s9, $0x2  }
0x10b: {  	v9 =	vadd.f32 v15, v9;
	v7 =	vld [tilespmem:s0+$0xC9C0];
	v10 =	vadd.f32 v10, v11  }
0x10c: {  	v4 =	vadd.f32 v2, v4;
	v5 =	vadd.f32 v3, v5;
	v11 =	vld [tilespmem:s0+$0xC9D0]  }
0x10d: {  	v9 =	vadd.f32 v14, v9;
	v2 =	vld [tilespmem:s0+$0xC980];
	v8 =	vadd.f32 v8, v10  }
0x10e: {  	v12 =	vadd.f32 v0, v4;
	v15 =	vadd.f32 v1, v5;
	v3 =	vld [tilespmem:s0+$0xC990]  }
0x10f: {  	v14 =	vadd.f32 v13, v9;
	v4 =	vld [tilespmem:s0+$0xC940];
	v13 =	vadd.f32 v6, v8  }
0x110: {  	v5 =	vld [tilespmem:s0+$0xC950];
	v0 =	vmov v7  }
0x111: {  	v6 =	vld [tilespmem:s0+$0xC900];
	v1 =	vmov v11  }
0x112: {  	v7 =	vld [tilespmem:s0+$0xC910]  }
0x113: {  	v9 =	vld [tilespmem:s0+$0xC8C0]  }
0x114: {  	v8 =	vld [tilespmem:s0+$0xC8D0]  }
0x115: {  	v11 =	vld [tilespmem:s0+$0xC880]  }
0x116: {  	v10 =	vld [tilespmem:s0+$0xC890]  }
.Ltmp4:
0x117: {  	v17 =	vld [tilespmem:s0+$0xC840];
	(pc) =	sbr.rel @p1 .LBB2_7-.Ltmp4, $4  }
0x118: {  	v16 =	vld [tilespmem:s0+$0xC850]  }
0x119: {  	v19 =	vld [tilespmem:s0+$0xC800]  }
0x11a: {  	v20 =	vld [tilespmem:s0+$0xC810]  }
0x11b: {  	s9 =	sadd.s32 $0x800, s9;
	v18 =	vld [tilespmem:s0+$0xC820]  }
0x11c: {  	v21 =	vld [tilespmem:s0+$0xC830]  }
0x11d: {  	v22 =	vld [tilespmem:s0+$0xC860]  }
0x11e: {  	v23 =	vld [tilespmem:s0+$0xC870];
	v12 =	vadd.f32 v19, v12  }
0x11f: {  	v19 =	vld [tilespmem:s0+$0xC8A0];
	v15 =	vadd.f32 v20, v15  }
0x120: {  	v20 =	vld [tilespmem:s0+$0xC8B0];
	v14 =	vadd.f32 v18, v14;
	v12 =	vadd.f32 v17, v12  }
0x121: {  	v17 =	vld [tilespmem:s0+$0xC8E0];
	v13 =	vadd.f32 v21, v13;
	v15 =	vadd.f32 v16, v15  }
0x122: {  	v16 =	vld [tilespmem:s0+$0xC8F0];
	v14 =	vadd.f32 v22, v14;
	v11 =	vadd.f32 v11, v12  }
0x123: {  	v12 =	vadd.f32 v23, v13;
	v13 =	vld [tilespmem:s0+$0xC920];
	v10 =	vadd.f32 v10, v15  }
0x124: {  	v15 =	vld [tilespmem:s0+$0xC930];
	v14 =	vadd.f32 v19, v14;
	v9 =	vadd.f32 v9, v11  }
0x125: {  	v11 =	vadd.f32 v20, v12;
	v12 =	vld [tilespmem:s0+$0xC960];
	v8 =	vadd.f32 v8, v10  }
0x126: {  	v10 =	vld [tilespmem:s0+$0xC970];
	v14 =	vadd.f32 v17, v14;
	v6 =	vadd.f32 v6, v9  }
0x127: {  	v9 =	vadd.f32 v16, v11;
	v11 =	vld [tilespmem:s0+$0xC9A0];
	v7 =	vadd.f32 v7, v8  }
0x128: {  	v8 =	vld [tilespmem:s0+$0xC9B0];
	v13 =	vadd.f32 v13, v14;
	v4 =	vadd.f32 v4, v6  }
0x129: {  	v6 =	vadd.f32 v15, v9;
	v9 =	vld [tilespmem:s0+$0xC9E0];
	v5 =	vadd.f32 v5, v7  }
0x12a: {  	v7 =	vld [tilespmem:s0+$0xC9F0];
	v12 =	vadd.f32 v12, v13;
	v2 =	vadd.f32 v2, v4  }
0x12b: {  	v4 =	vadd.f32 v10, v6;
	v3 =	vadd.f32 v3, v5  }
0x12c: {  	v5 =	vadd.f32 v11, v12;
	v0 =	vadd.f32 v0, v2  }
0x12d: {  	v2 =	vadd.f32 v8, v4;
	v1 =	vadd.f32 v1, v3  }
0x12e: {  	v3 =	vadd.f32 v9, v5;
	[tilespmem:s31+$0x12C80] =	vst v0  }
0x12f: {  	v0 =	vadd.f32 v7, v2;
	[tilespmem:s31+$0x12C90] =	vst v1  }
0x130: {  	[tilespmem:s31+$0x12CA0] =	vst v3  }
0x131: {  	s9 =	simm.s32 @!p0 $0x28;
	s10 =	simm.s32 @!p0 $0xC800;
	s0 =	sadd.s32 @!p0 $0x4B0, s1;
	[tilespmem:s31+$0x12CB0] =	vst v0  }
0x132: {  	[tilespmem:s10], [sflag:$0x3] =	stream.indirect.gather @!p0 [hbm4b:s3+s9], $0x40, s0, s9, $0xb8;
	[tilespmem:$0x14C00] =	vst v63  }
0x133: {  	s0 =	sadd.s32 @!p0 $0x4D8, s1;
	s10 =	simm.s32 @!p0 $0xD200  }
0x134: {  	[tilespmem:s10], [sflag:$0x3] =	stream.indirect.gather @!p0 [hbm4b:s3+s9], $0x40, s0, s9, $0xb8;
	[tilespmem:$0x14C00] =	vst v63  }
0x135: {  	s0 =	sadd.s32 @!p0 $0x500, s1;
	s10 =	simm.s32 @!p0 $0xDC00  }
0x136: {  	[tilespmem:s10], [sflag:$0x3] =	stream.indirect.gather @!p0 [hbm4b:s3+s9], $0x40, s0, s9, $0xb8;
	[tilespmem:$0x14C00] =	vst v63  }
0x137: {  	s0 =	sadd.s32 @!p0 $0x528, s1;
	s10 =	simm.s32 @!p0 $0xE600  }
0x138: {  	[tilespmem:s10], [sflag:$0x3] =	stream.indirect.gather @!p0 [hbm4b:s3+s9], $0x40, s0, s9, $0xb8;
	[tilespmem:$0x14C00] =	vst v63  }
0x139: {  	s0 =	sadd.s32 @!p0 $0x550, s1;
	s1 =	simm.s32 @!p0 $0xF000  }
0x13a: {  	[tilespmem:s1], [sflag:$0x3] =	stream.indirect.gather @!p0 [hbm4b:s3+s9], $0x40, s0, s9, $0xb8;
	[tilespmem:$0x14C00] =	vst v63  }
0x13b: {  	_ =	swait.ge [sflag:s26], $0x3200  }
0x13c: {  	[sflag:s26] =	ssyncset.done $0x0  }
0x13d: {  	s0 =	simm.s32 $0x0;
	[sflag:s26] =	ssyncadd.s32 $0xFFFFCE00  }
0x13e: {  	v0 =	vld [tilespmem:s0+$0xFBC0]  }
0x13f: {  	v1 =	vld [tilespmem:s0+$0xFBD0]  }
0x140: {  	v2 =	vld [tilespmem:s0+$0xFB80]  }
0x141: {  	v3 =	vld [tilespmem:s0+$0xFB90]  }
0x142: {  	v4 =	vld [tilespmem:s0+$0xFB40]  }
0x143: {  	v5 =	vld [tilespmem:s0+$0xFB50]  }
0x144: {  	v6 =	vld [tilespmem:s0+$0xFB00]  }
0x145: {  	v7 =	vld [tilespmem:s0+$0xFB10]  }
0x146: {  	v9 =	vld [tilespmem:s0+$0xFAC0]  }
0x147: {  	v8 =	vld [tilespmem:s0+$0xFAD0]  }
0x148: {  	v11 =	vld [tilespmem:s0+$0xFA80]  }
0x149: {  	v10 =	vld [tilespmem:s0+$0xFA90]  }
0x14a: {  	v17 =	vld [tilespmem:s0+$0xFA40]  }
0x14b: {  	v16 =	vld [tilespmem:s0+$0xFA50]  }
0x14c: {  	v19 =	vld [tilespmem:s0+$0xFA00]  }
0x14d: {  	v14 =	vimm.f32 $0.0e+00;
	v20 =	vld [tilespmem:s0+$0xFA10]  }
0x14e: {  	v15 =	vimm.f32 $0.0e+00;
	v13 =	vimm.f32 $0.0e+00;
	v12 =	vimm.f32 $0.0e+00;
	s1 =	simm.s32 $0x800;
	v18 =	vld [tilespmem:s0+$0xFA20]  }
.LBB2_9:
0x14f: {  	p1 =	sne.s32 s1, $0xC000;
	v21 =	vld [tilespmem:s0+$0xFA30]  }
0x150: {  	v22 =	vld [tilespmem:s0+$0xFA60]  }
0x151: {  	v23 =	vld [tilespmem:s0+$0xFA70]  }
0x152: {  	v24 =	vld [tilespmem:s0+$0xFAA0]  }
0x153: {  	v12 =	vadd.f32 v19, v12;
	v15 =	vadd.f32 v20, v15;
	v19 =	vld [tilespmem:s0+$0xFAB0]  }
0x154: {  	v14 =	vadd.f32 v18, v14;
	v13 =	vadd.f32 v21, v13;
	v18 =	vld [tilespmem:s0+$0xFAE0]  }
0x155: {  	v12 =	vadd.f32 v17, v12;
	v15 =	vadd.f32 v16, v15;
	v16 =	vld [tilespmem:s0+$0xFAF0]  }
0x156: {  	v14 =	vadd.f32 v22, v14;
	v13 =	vadd.f32 v23, v13;
	v17 =	vld [tilespmem:s0+$0xFB20]  }
0x157: {  	v11 =	vadd.f32 v11, v12;
	v10 =	vadd.f32 v10, v15;
	v12 =	vld [tilespmem:s0+$0xFB30]  }
0x158: {  	v14 =	vadd.f32 v24, v14;
	v13 =	vadd.f32 v19, v13;
	v15 =	vld [tilespmem:s0+$0xFB60]  }
0x159: {  	v9 =	vadd.f32 v9, v11;
	v8 =	vadd.f32 v8, v10;
	v10 =	vld [tilespmem:s0+$0xFB70]  }
0x15a: {  	v11 =	vadd.f32 v18, v14;
	v13 =	vadd.f32 v16, v13;
	v14 =	vld [tilespmem:s0+$0xFBA0]  }
0x15b: {  	v6 =	vadd.f32 v6, v9;
	v7 =	vadd.f32 v7, v8;
	v8 =	vld [tilespmem:s0+$0xFBB0]  }
0x15c: {  	v9 =	vadd.f32 v17, v11;
	v11 =	vadd.f32 v12, v13;
	v13 =	vld [tilespmem:s0+$0xFBE0]  }
0x15d: {  	v4 =	vadd.f32 v4, v6;
	v5 =	vadd.f32 v5, v7;
	v6 =	vld [tilespmem:s0+$0xFBF0];
	s0 =	sshra.s32 s1, $0x2  }
0x15e: {  	v9 =	vadd.f32 v15, v9;
	v7 =	vld [tilespmem:s0+$0xFBC0];
	v10 =	vadd.f32 v10, v11  }
0x15f: {  	v4 =	vadd.f32 v2, v4;
	v5 =	vadd.f32 v3, v5;
	v11 =	vld [tilespmem:s0+$0xFBD0]  }
0x160: {  	v9 =	vadd.f32 v14, v9;
	v2 =	vld [tilespmem:s0+$0xFB80];
	v8 =	vadd.f32 v8, v10  }
0x161: {  	v12 =	vadd.f32 v0, v4;
	v15 =	vadd.f32 v1, v5;
	v3 =	vld [tilespmem:s0+$0xFB90]  }
0x162: {  	v14 =	vadd.f32 v13, v9;
	v4 =	vld [tilespmem:s0+$0xFB40];
	v13 =	vadd.f32 v6, v8  }
0x163: {  	v5 =	vld [tilespmem:s0+$0xFB50];
	v0 =	vmov v7  }
0x164: {  	v6 =	vld [tilespmem:s0+$0xFB00];
	v1 =	vmov v11  }
0x165: {  	v7 =	vld [tilespmem:s0+$0xFB10]  }
0x166: {  	v9 =	vld [tilespmem:s0+$0xFAC0]  }
0x167: {  	v8 =	vld [tilespmem:s0+$0xFAD0]  }
0x168: {  	v11 =	vld [tilespmem:s0+$0xFA80]  }
0x169: {  	v10 =	vld [tilespmem:s0+$0xFA90]  }
.Ltmp5:
0x16a: {  	v17 =	vld [tilespmem:s0+$0xFA40];
	(pc) =	sbr.rel @p1 .LBB2_9-.Ltmp5, $4  }
0x16b: {  	v16 =	vld [tilespmem:s0+$0xFA50]  }
0x16c: {  	v19 =	vld [tilespmem:s0+$0xFA00]  }
0x16d: {  	v20 =	vld [tilespmem:s0+$0xFA10]  }
0x16e: {  	s1 =	sadd.s32 $0x800, s1;
	v18 =	vld [tilespmem:s0+$0xFA20]  }
0x16f: {  	v21 =	vld [tilespmem:s0+$0xFA30]  }
0x170: {  	v22 =	vld [tilespmem:s0+$0xFA60]  }
0x171: {  	v23 =	vld [tilespmem:s0+$0xFA70];
	v12 =	vadd.f32 v19, v12  }
0x172: {  	v43 =	vld [tilespmem:s0+$0xFAA0];
	v15 =	vadd.f32 v20, v15  }
0x173: {  	v44 =	vld [tilespmem:s0+$0xFAB0];
	v14 =	vadd.f32 v18, v14;
	v12 =	vadd.f32 v17, v12  }
0x174: {  	v45 =	vld [tilespmem:s0+$0xFAE0];
	v13 =	vadd.f32 v21, v13;
	v15 =	vadd.f32 v16, v15  }
0x175: {  	v46 =	vld [tilespmem:s0+$0xFAF0];
	v14 =	vadd.f32 v22, v14;
	v11 =	vadd.f32 v11, v12  }
0x176: {  	v48 =	vld [tilespmem:s0+$0xFB20];
	v47 =	vadd.f32 v23, v13;
	v10 =	vadd.f32 v10, v15  }
0x177: {  	v49 =	vld [tilespmem:s0+$0xFB30];
	v14 =	vadd.f32 v43, v14;
	v9 =	vadd.f32 v9, v11  }
0x178: {  	v51 =	vld [tilespmem:s0+$0xFB60];
	v50 =	vadd.f32 v44, v47;
	v8 =	vadd.f32 v8, v10  }
0x179: {  	v52 =	vld [tilespmem:s0+$0xFB70];
	v14 =	vadd.f32 v45, v14;
	v6 =	vadd.f32 v6, v9  }
0x17a: {  	v54 =	vld [tilespmem:s0+$0xFBA0];
	v53 =	vadd.f32 v46, v50;
	v7 =	vadd.f32 v7, v8  }
0x17b: {  	v55 =	vld [tilespmem:s0+$0xFBB0];
	v13 =	vadd.f32 v48, v14;
	v4 =	vadd.f32 v4, v6  }
0x17c: {  	v57 =	vld [tilespmem:s0+$0xFBE0];
	v56 =	vadd.f32 v49, v53;
	v5 =	vadd.f32 v5, v7  }
0x17d: {  	v58 =	vld [tilespmem:s0+$0xFBF0];
	v12 =	vadd.f32 v51, v13;
	v2 =	vadd.f32 v2, v4  }
0x17e: {  	v59 =	vadd.f32 v52, v56;
	v3 =	vadd.f32 v3, v5  }
0x17f: {  	v60 =	vadd.f32 v54, v12;
	v0 =	vadd.f32 v0, v2  }
.Ltmp6:
0x180: {  	v61 =	vadd.f32 v55, v59;
	v1 =	vadd.f32 v1, v3;
	(pc) =	sbr.rel @p0 .LBB2_12-.Ltmp6, $4  }
0x181: {  	v62 =	vadd.f32 v57, v60;
	[tilespmem:s31+$0x12CC0] =	vst v0  }
0x182: {  	v63 =	vadd.f32 v58, v61;
	[tilespmem:s31+$0x12CD0] =	vst v1  }
0x183: {  	[tilespmem:s31+$0x12CE0] =	vst v62  }
0x184: {  	[tilespmem:s31+$0x12CF0] =	vst v63  }
0x185: {  	s0 =	smul.u32 $0xC80, s30;
	_ =	sdelay $0x1  }
0x186: {  	s0 =	sshra.s32 s0, $0x2  }
0x187: {  	s1 =	sadd.s32 $0x578, s0  }
0x188: {  	[tilespmem:s14], [sflag:$0x4] =	stream.indirect.gather [hbm4b:s3+s8], $0x40, s1, s8, $0xb8;
	[tilespmem:$0x14C00] =	vst v63  }
0x189: {  	s9 =	sadd.s32 $0x5A0, s0  }
0x18a: {  	[tilespmem:s16], [sflag:$0x4] =	stream.indirect.gather [hbm4b:s3+s8], $0x40, s9, s8, $0xb8;
	[tilespmem:$0x14C00] =	vst v63  }
0x18b: {  	s10 =	sadd.s32 $0x5C8, s0  }
0x18c: {  	[tilespmem:s18], [sflag:$0x4] =	stream.indirect.gather [hbm4b:s3+s8], $0x40, s10, s8, $0xb8;
	[tilespmem:$0x14C00] =	vst v63  }
.Ltmp7:
0x18d: {  	_ = 	snop;
	(pc) =	sbr.rel .LBB2_2-.Ltmp7, $4  }
0x18e: {  	s31 =	sadd.s32 $0x5F0, s0  }
0x18f: {  	[tilespmem:s20], [sflag:$0x4] =	stream.indirect.gather [hbm4b:s3+s8], $0x40, s31, s8, $0xb8;
	[tilespmem:$0x14C00] =	vst v63  }
0x190: {  	s30 =	sadd.s32 $0x1, s30;
	s0 =	sadd.s32 $0x618, s0  }
0x191: {  	[tilespmem:s22], [sflag:$0x4] =	stream.indirect.gather [hbm4b:s3+s8], $0x40, s0, s8, $0xb8;
	[tilespmem:$0x14C00] =	vst v63  }
.LBB2_13:
0x192: {  	_ =	sfence.sel $0x180000  }
0x193: {  	[bflag:$0x0] =	sbarrier.arrive $0xFFFF  }
0x194: {  	_ =	strace $0x90000047  }
0x195: {  	s0 =	stileid.u32;
	[bflag:$0x2] =	sbarrier.arrive $0xFFFF  }
0x196: {  	p0 =	sne.s32 s0, $0x0;
	s0 =	rddreg [dreg:$0x2]  }
0x197: {  	s0 =	sadd.s32 @!p0 $0x100000, s0  }
0x198: {  	[sflag:s0] =	ssyncadd.tile.s32 @!p0 $0x1;
	_ =	shalt  }
.Lfunc_end2:
_tile_overlayer_lowered:
.L_overlay_start_2:
0x199: {  	(tag) =	ssettag $0x2  }
0x19a: {  	s0 =	rddreg [dreg:$0x0];
	s2 =	stileid.u32  }
0x19b: {  	s1 =	rddreg [dreg:$0x1];
	p0 =	sne.s32 s2, $0x0  }
0x19c: {  	s3 =	rddreg [dreg:$0x2];
	[bflag:$0x3] =	sbarrier.arrive $0xFFFF;
	s2 =	simm.s32 @!p0 $0x1C05  }
0x19d: {  	[timem:s3], [sflag:s2] =	dma.local @!p0 [hbm:s0], s1  }
0x19e: {  	s0 =	simm.s32 @!p0 $0x5  }
0x19f: {  	_ =	swait.ge @!p0 [sflag:s0], s1  }
0x1a0: {  	s1 =	ssub.s32 @!p0 $0x0, s1;
	[sflag:s0] =	ssyncset.done @!p0 $0x0  }
0x1a1: {  	[sflag:s0] =	ssyncadd.s32 @!p0 s1  }
0x1a2: {  	[bflag:$0x3] =	sbarrier.arrive $0xFFFF  }
0x1a3: {  	_ =	shalt  }

</sc_bundles>
